<compile_context>
chip_gen: v7x
topology: tpu7x:2x2x1
jax: 0.10.2.dev20260603
libtpu: 0.0.44.dev20260713+nightly
codegen_flags: <defaults>
</compile_context>

<pallas_src>
import functools

import jax
import jax.numpy as jnp
from jax import lax
from jax.experimental import pallas as pl
from jax.experimental.pallas import tpu as pltpu
from jax.experimental.pallas import tpu_sc as plsc

S = 8192
B = 4
E = 768
K = S // 2


SBLK = 512
NBLK = S // SBLK


def _scores_body(x_ref, w_ref, o_ref):
    xb = x_ref[...].reshape(SBLK * B, E)
    w = w_ref[...].reshape(E, 1)
    o_ref[...] = lax.dot_general(
        xb, w, (((1,), (0,)), ((), ()))).reshape(SBLK, B)


_scores_call = pl.pallas_call(
    _scores_body,
    grid=(NBLK,),
    in_specs=[
        pl.BlockSpec((SBLK, B, E), lambda i: (i, 0, 0)),
        pl.BlockSpec((1, E), lambda i: (0, 0)),
    ],
    out_specs=pl.BlockSpec((SBLK, B), lambda i: (i, 0)),
    out_shape=jax.ShapeDtypeStruct((S, B), jnp.float32),
)



C = 128
R1 = S // C
R2 = K // C


def _sort_body(st_ref, idx_ref, w_ref, s_scr, i_scr, k_scr, w2_scr):
    pos = (lax.broadcasted_iota(jnp.int32, (B, R1, C), 1) * C
           + lax.broadcasted_iota(jnp.int32, (B, R1, C), 2))
    s_scr[...] = st_ref[...]
    i_scr[...] = pos
    one = jnp.int32(1)

    def cx1_lane(j, k):
        s = s_scr[...]
        iv = i_scr[...]
        lo = (pos & j) == 0
        up = (pos & k) == 0
        ps = jnp.where(lo, pltpu.roll(s, C - j, axis=2),
                       pltpu.roll(s, j, axis=2))
        pi = jnp.where(lo, pltpu.roll(iv, C - j, axis=2),
                       pltpu.roll(iv, j, axis=2))
        first = (s > ps) | ((s == ps) & (iv < pi))
        take = (lo == up) ^ first
        s_scr[...] = jnp.where(take, ps, s)
        i_scr[...] = jnp.where(take, pi, iv)

    def cx1_row(j, k):
        jr = lax.shift_right_logical(j, 7)
        s = s_scr[...]
        iv = i_scr[...]
        lo = (pos & j) == 0
        up = (pos & k) == 0
        ps = jnp.where(lo, pltpu.roll(s, R1 - jr, axis=1),
                       pltpu.roll(s, jr, axis=1))
        pi = jnp.where(lo, pltpu.roll(iv, R1 - jr, axis=1),
                       pltpu.roll(iv, jr, axis=1))
        first = (s > ps) | ((s == ps) & (iv < pi))
        take = (lo == up) ^ first
        s_scr[...] = jnp.where(take, ps, s)
        i_scr[...] = jnp.where(take, pi, iv)

    def phA_inner(q, m):
        cx1_lane(lax.shift_left(one, m - 1 - q), lax.shift_left(one, m))
        return m

    lax.fori_loop(1, 8, lambda m, _: lax.fori_loop(0, m, phA_inner, m) * 0, 0)

    def phB_row(t, m):
        cx1_row(lax.shift_left(one, m - 1 - t), lax.shift_left(one, m))
        return m

    def phB_lane(q, m):
        cx1_lane(lax.shift_left(one, 6 - q), lax.shift_left(one, m))
        return m

    def phB(m, _):
        lax.fori_loop(0, m - 7, phB_row, m)
        lax.fori_loop(0, 7, phB_lane, m)
        return 0

    lax.fori_loop(8, 14, phB, 0)

    k_scr[...] = i_scr[:, :R2, :]
    w2_scr[...] = (jnp.clip(s_scr[:, :R2, :], 0.0, 1.0)
                   - jnp.clip(s_scr[:, R2:, :], 0.0, 1.0))
    pos2 = (lax.broadcasted_iota(jnp.int32, (B, R2, C), 1) * C
            + lax.broadcasted_iota(jnp.int32, (B, R2, C), 2))

    def cx2_lane(j, k):
        kv = k_scr[...]
        wv = w2_scr[...]
        lo = (pos2 & j) == 0
        up = (pos2 & k) == 0
        pk = jnp.where(lo, pltpu.roll(kv, C - j, axis=2),
                       pltpu.roll(kv, j, axis=2))
        pw = jnp.where(lo, pltpu.roll(wv, C - j, axis=2),
                       pltpu.roll(wv, j, axis=2))
        first = kv < pk
        take = (lo == up) ^ first
        k_scr[...] = jnp.where(take, pk, kv)
        w2_scr[...] = jnp.where(take, pw, wv)

    def cx2_row(j, k):
        jr = lax.shift_right_logical(j, 7)
        kv = k_scr[...]
        wv = w2_scr[...]
        lo = (pos2 & j) == 0
        up = (pos2 & k) == 0
        pk = jnp.where(lo, pltpu.roll(kv, R2 - jr, axis=1),
                       pltpu.roll(kv, jr, axis=1))
        pw = jnp.where(lo, pltpu.roll(wv, R2 - jr, axis=1),
                       pltpu.roll(wv, jr, axis=1))
        first = kv < pk
        take = (lo == up) ^ first
        k_scr[...] = jnp.where(take, pk, kv)
        w2_scr[...] = jnp.where(take, pw, wv)

    def p2A_inner(q, m):
        cx2_lane(lax.shift_left(one, m - 1 - q), lax.shift_left(one, m))
        return m

    lax.fori_loop(1, 8, lambda m, _: lax.fori_loop(0, m, p2A_inner, m) * 0, 0)

    def p2B_row(t, m):
        cx2_row(lax.shift_left(one, m - 1 - t), lax.shift_left(one, m))
        return m

    def p2B_lane(q, m):
        cx2_lane(lax.shift_left(one, 6 - q), lax.shift_left(one, m))
        return m

    def p2B(m, _):
        lax.fori_loop(0, m - 7, p2B_row, m)
        lax.fori_loop(0, 7, p2B_lane, m)
        return 0

    lax.fori_loop(8, 13, p2B, 0)

    idx_ref[...] = k_scr[...]
    w_ref[...] = w2_scr[...]


_sort_call = pl.pallas_call(
    _sort_body,
    out_shape=(
        jax.ShapeDtypeStruct((B, R2, C), jnp.int32),
        jax.ShapeDtypeStruct((B, R2, C), jnp.float32),
    ),
    scratch_shapes=[
        pltpu.VMEM((B, R1, C), jnp.float32),
        pltpu.VMEM((B, R1, C), jnp.int32),
        pltpu.VMEM((B, R2, C), jnp.int32),
        pltpu.VMEM((B, R2, C), jnp.float32),
    ],
)


NW = 32
GPB = NW // B
BPW = K // GPB
CH = 64
NCH = BPW // CH


@functools.cache
def _build_gather_sc():
    mesh = plsc.VectorSubcoreMesh(core_axis_name="c", subcore_axis_name="s")

    @functools.partial(
        pl.kernel,
        mesh=mesh,
        out_type=jax.ShapeDtypeStruct((K, B, E), jnp.float32),
        scratch_types=[
            pltpu.VMEM((BPW,), jnp.int32),
            pltpu.VMEM((CH, 1, E), jnp.float32),
            pltpu.VMEM((CH, 1, E), jnp.float32),
            pltpu.SemaphoreType.DMA,
            pltpu.SemaphoreType.DMA,
            pltpu.SemaphoreType.DMA,
            pltpu.SemaphoreType.DMA,
        ],
    )
    def _gather_sc(x_hbm, idx_hbm, out_hbm, idx_v, buf0, buf1,
                   gs0, gs1, ws0, ws1):
        wid = lax.axis_index("s") * 2 + lax.axis_index("c")
        b = wid % B
        base = (wid // B) * BPW
        pltpu.sync_copy(idx_hbm.at[b, pl.ds(base, BPW)], idx_v)
        bufs = (buf0, buf1)
        gsems = (gs0, gs1)
        wsems = (ws0, ws1)
        gcp = [None] * NCH
        wcp = [None] * NCH
        gcp[0] = pltpu.async_copy(
            x_hbm.at[idx_v.at[pl.ds(0, CH)], pl.ds(b, 1)], bufs[0], gsems[0])
        for c in range(NCH):
            p = c & 1
            gcp[c].wait()
            if c + 1 < NCH:
                q = (c + 1) & 1
                if c >= 1:
                    wcp[c - 1].wait()
                gcp[c + 1] = pltpu.async_copy(
                    x_hbm.at[idx_v.at[pl.ds((c + 1) * CH, CH)], pl.ds(b, 1)],
                    bufs[q], gsems[q])
            wcp[c] = pltpu.async_copy(
                bufs[p], out_hbm.at[pl.ds(base + c * CH, CH), pl.ds(b, 1)], wsems[p])
        wcp[NCH - 2].wait()
        wcp[NCH - 1].wait()

    return _gather_sc




def kernel(x, W):
    scores = _scores_call(x, W.reshape(1, E))
    idxs3, w3 = _sort_call(scores.T.reshape(B, R1, C))
    idxs = idxs3.reshape(B, K)
    weights = w3.reshape(B, K)
    xds = _build_gather_sc()(x, idxs)
    return idxs, weights, xds

# --- scband reference (transcript-rebuilt; emitter-appended) ---
"""Pipeline reference for scband-learned-downsampling-module-10084583211596 (READ-ONLY COPY).

The authoritative reference and input builder live on the scoring server;
editing this copy changes nothing except your own understanding.
"""

import jax, jax.numpy as jnp
import numpy as np

SEQ_LEN = 8192
BATCH = 4
EMBED_DIM = 768
DOWNSAMPLING_FACTOR = 2


def setup_inputs(seed: int = 0) -> dict:
    key = jax.random.key(seed)
    k1, k2 = jax.random.split(key)
    x = jax.random.normal(k1, (SEQ_LEN, BATCH, EMBED_DIM), dtype=jnp.float32)
    # to_scores: nn.Linear(embed_dim, 1, bias=False) -> weight vector (embed_dim,)
    W = jax.random.normal(k2, (EMBED_DIM,), dtype=jnp.float32) * (EMBED_DIM ** -0.5)
    return {"x": x, "W": W}


def reference(x, W):
    # Faithful translation of LearnedDownsamplingModule.forward in training mode,
    # deterministic (no random flip of discarded weights; Balancer is identity in
    # the forward pass -- it only modifies gradients in the original code).
    seq_len, batch_size, _ = x.shape
    d = DOWNSAMPLING_FACTOR
    seq_len_reduced = (seq_len + d - 1) // d

    scores = jnp.einsum('sbc,c->sb', x, W)          # (seq_len, batch)
    scores = scores.T                                # (batch, seq_len)

    # descending sort
    order = jnp.argsort(-scores, axis=-1)            # (batch, seq_len) int
    sscores = jnp.take_along_axis(scores, order, axis=-1)

    weights = jnp.clip(sscores, 0.0, 1.0)

    weights_discarded = weights[:, seq_len_reduced:2 * seq_len_reduced]
    missing = seq_len_reduced - weights_discarded.shape[1]
    if missing != 0:
        weights_discarded = jnp.concatenate(
            [weights_discarded,
             jnp.zeros((batch_size, missing), dtype=weights.dtype)], axis=1)
    weights = weights[:, :seq_len_reduced] - weights_discarded

    idx = order[:, :seq_len_reduced]
    reorder = jnp.argsort(idx, axis=-1)
    indexes = jnp.take_along_axis(idx, reorder, axis=-1)   # sorted ascending
    weights = jnp.take_along_axis(weights, reorder, axis=-1)

    # downsample: gather frames along time axis
    idx_exp = indexes.T[:, :, None]                  # (seq_len_reduced, batch, 1)
    x_downsampled = jnp.take_along_axis(x, idx_exp, axis=0)

    return indexes, weights, x_downsampled


if False:  # reference __main__ guard neutralized (emitter)
    inp = setup_inputs()
    out = reference(**inp)
    for o in out:
        print(o.shape, o.dtype)

if __name__ == "__main__":
    import jax
    _d = setup_inputs()
    print(jax.jit(kernel)(*tuple(_d.values())))

</pallas_src>

<mosaic_0001>
#map = affine_map<(d0, d1) -> (0, 0, 0)>
#map1 = affine_map<(d0, d1) -> (0, 0)>
module attributes {stable_mosaic.version = 14 : i64} {
  func.func @_gather_sc(%arg0: i32, %arg1: i32, %arg2: memref<8192x4x768xf32, #tpu.memory_space<hbm>>, %arg3: memref<4x4096xi32, #tpu.memory_space<hbm>>, %arg4: memref<4096x4x768xf32, #tpu.memory_space<hbm>>, %arg5: memref<512xi32, #tpu.memory_space<vmem>>, %arg6: memref<64x1x768xf32, #tpu.memory_space<vmem>>, %arg7: memref<64x1x768xf32, #tpu.memory_space<vmem>>, %arg8: memref<!tpu.dma_semaphore, #tpu.memory_space<semaphore_mem>>, %arg9: memref<!tpu.dma_semaphore, #tpu.memory_space<semaphore_mem>>, %arg10: memref<!tpu.dma_semaphore, #tpu.memory_space<semaphore_mem>>, %arg11: memref<!tpu.dma_semaphore, #tpu.memory_space<semaphore_mem>>) attributes {dimension_semantics = [#tpu.dimension_semantics<core_parallel>, #tpu.dimension_semantics<subcore_parallel>], iteration_bounds = array<i64: 2, 16>, scalar_prefetch = 0 : i64, scratch_operands = 7 : i64, tpu.core_type = #tpu.core_type<sc_vector_subcore>, window_params = [{transform_indices = #map}, {transform_indices = #map1}, {transform_indices = #map}]} {
    %mul3A = arith.constant 2 : i32
    %mul3A_0 = arith.muli %arg1, %mul3A : i32
    %add3A = arith.addi %mul3A_0, %arg0 : i32
    %jit3A = arith.constant 4 : i32
    %eq3A = arith.constant 0 : i32
    %eq3A_1 = arith.cmpi eq, %jit3A, %eq3A : i32
    %jit3A_2 = arith.constant 1 : i32
    %select_n3A = arith.select %eq3A_1, %jit3A_2, %jit3A : i32
    %rem3A = arith.remsi %add3A, %select_n3A : i32
    %ne3A = arith.constant 0 : i32
    %ne3A_3 = arith.cmpi ne, %rem3A, %ne3A : i32
    %lt3A = arith.constant 0 : i32
    %lt3A_4 = arith.cmpi slt, %rem3A, %lt3A : i32
    %lt3A_5 = arith.constant 0 : i32
    %lt3A_6 = arith.cmpi slt, %select_n3A, %lt3A_5 : i32
    %ne3A_7 = arith.xori %lt3A_4, %lt3A_6 : i1
    %and3A = arith.andi %ne3A_7, %ne3A_3 : i1
    %add3A_8 = arith.addi %rem3A, %select_n3A : i32
    %select_n3A_9 = arith.select %and3A, %add3A_8, %rem3A : i32
    %jit3A_10 = arith.constant 4 : i32
    %div3A = arith.divsi %add3A, %jit3A_10 : i32
    %sign3A = arith.constant 0 : i32
    %sign3A_11 = arith.cmpi sgt, %add3A, %sign3A : i32
    %sign3A_12 = arith.extui %sign3A_11 : i1 to i32
    %sign3A_13 = arith.constant 0 : i32
    %sign3A_14 = arith.cmpi slt, %add3A, %sign3A_13 : i32
    %sign3A_15 = arith.extui %sign3A_14 : i1 to i32
    %sign3A_16 = arith.subi %sign3A_12, %sign3A_15 : i32
    %sign3A_17 = arith.constant 0 : i32
    %sign3A_18 = arith.cmpi sgt, %jit3A_10, %sign3A_17 : i32
    %sign3A_19 = arith.extui %sign3A_18 : i1 to i32
    %sign3A_20 = arith.constant 0 : i32
    %sign3A_21 = arith.cmpi slt, %jit3A_10, %sign3A_20 : i32
    %sign3A_22 = arith.extui %sign3A_21 : i1 to i32
    %sign3A_23 = arith.subi %sign3A_19, %sign3A_22 : i32
    %ne3A_24 = arith.cmpi ne, %sign3A_16, %sign3A_23 : i32
    %rem3A_25 = arith.remsi %add3A, %jit3A_10 : i32
    %ne3A_26 = arith.constant 0 : i32
    %ne3A_27 = arith.cmpi ne, %rem3A_25, %ne3A_26 : i32
    %and3A_28 = arith.andi %ne3A_24, %ne3A_27 : i1
    %sub3A = arith.constant 1 : i32
    %sub3A_29 = arith.subi %div3A, %sub3A : i32
    %select_n3A_30 = arith.select %and3A_28, %sub3A_29, %div3A : i32
    %mul3A_31 = arith.constant 512 : i32
    %mul3A_32 = arith.muli %select_n3A_30, %mul3A_31 : i32
    "tpu.region"() ({
      %run_scoped3A = tpu.sem_alloc : memref<!tpu.dma_semaphore, #tpu.memory_space<semaphore_mem>>
      %dma_start3A_191 = tpu.memref_slice %arg3[%select_n3A_9, %mul3A_32] : memref<4x4096xi32, #tpu.memory_space<hbm>> -> memref<1x512xi32, #tpu.memory_space<hbm>>
      %dma_start3A_192 = tpu.memref_squeeze %dma_start3A_191 : memref<1x512xi32, #tpu.memory_space<hbm>> -> memref<512xi32, #tpu.memory_space<hbm>>
      %dma_start3A_193 = tpu.memref_slice %arg3[%select_n3A_9, %mul3A_32] : memref<4x4096xi32, #tpu.memory_space<hbm>> -> memref<1x512xi32, #tpu.memory_space<hbm>>
      %dma_start3A_194 = tpu.memref_squeeze %dma_start3A_193 : memref<1x512xi32, #tpu.memory_space<hbm>> -> memref<512xi32, #tpu.memory_space<hbm>>
      tpu.enqueue_dma source(%dma_start3A_194 : memref<512xi32, #tpu.memory_space<hbm>>) target(%arg5 : memref<512xi32, #tpu.memory_space<vmem>>) target_semaphore(%run_scoped3A : memref<!tpu.dma_semaphore, #tpu.memory_space<semaphore_mem>>)
      %dma_wait3A_195 = tpu.memref_slice %arg3[%select_n3A_9, %mul3A_32] : memref<4x4096xi32, #tpu.memory_space<hbm>> -> memref<1x512xi32, #tpu.memory_space<hbm>>
      %dma_wait3A_196 = tpu.memref_squeeze %dma_wait3A_195 : memref<1x512xi32, #tpu.memory_space<hbm>> -> memref<512xi32, #tpu.memory_space<hbm>>
      %dma_wait3A_197 = tpu.memref_slice %arg3[%select_n3A_9, %mul3A_32] : memref<4x4096xi32, #tpu.memory_space<hbm>> -> memref<1x512xi32, #tpu.memory_space<hbm>>
      %dma_wait3A_198 = tpu.memref_squeeze %dma_wait3A_197 : memref<1x512xi32, #tpu.memory_space<hbm>> -> memref<512xi32, #tpu.memory_space<hbm>>
      tpu.wait_dma2 semaphore(%run_scoped3A : memref<!tpu.dma_semaphore, #tpu.memory_space<semaphore_mem>>) src(%dma_wait3A_198 : memref<512xi32, #tpu.memory_space<hbm>>) dst(%arg5 : memref<512xi32, #tpu.memory_space<vmem>>)
      tpu.yield
    }) : () -> ()
    %dma_start3A = arith.constant 0 : i32
    %dma_start3A_33 = tpu.memref_slice %arg5[%dma_start3A] : memref<512xi32, #tpu.memory_space<vmem>> -> memref<64xi32, #tpu.memory_space<vmem>>
    %dma_start3A_34 = arith.constant 0 : i32
    %dma_start3A_35 = arith.constant 0 : i32
    %dma_start3A_36 = tpu.memref_slice %arg2[%dma_start3A_34, %select_n3A_9, %dma_start3A_35] : memref<8192x4x768xf32, #tpu.memory_space<hbm>> -> memref<8192x1x768xf32, #tpu.memory_space<hbm>>
    tpu.enqueue_indirect_dma source(%dma_start3A_36 : memref<8192x1x768xf32, #tpu.memory_space<hbm>>) target(%arg6 : memref<64x1x768xf32, #tpu.memory_space<vmem>>) offsets(%dma_start3A_33 : memref<64xi32, #tpu.memory_space<vmem>>) semaphore(%arg8 : memref<!tpu.dma_semaphore, #tpu.memory_space<semaphore_mem>>)
    %dma_wait3A = arith.constant 0 : i32
    %dma_wait3A_37 = tpu.memref_slice %arg5[%dma_wait3A] : memref<512xi32, #tpu.memory_space<vmem>> -> memref<64xi32, #tpu.memory_space<vmem>>
    %dma_wait3A_38 = arith.constant 0 : i32
    %dma_wait3A_39 = arith.constant 0 : i32
    %dma_wait3A_40 = tpu.memref_slice %arg2[%dma_wait3A_38, %select_n3A_9, %dma_wait3A_39] : memref<8192x4x768xf32, #tpu.memory_space<hbm>> -> memref<8192x1x768xf32, #tpu.memory_space<hbm>>
    tpu.wait_indirect_dma semaphore(%arg8 : memref<!tpu.dma_semaphore, #tpu.memory_space<semaphore_mem>>) src(%dma_wait3A_40 : memref<8192x1x768xf32, #tpu.memory_space<hbm>>) dst(%arg6 : memref<64x1x768xf32, #tpu.memory_space<vmem>>)
    %dma_start3A_41 = arith.constant 64 : i32
    %dma_start3A_42 = tpu.memref_slice %arg5[%dma_start3A_41] : memref<512xi32, #tpu.memory_space<vmem>> -> memref<64xi32, #tpu.memory_space<vmem>>
    %dma_start3A_43 = arith.constant 0 : i32
    %dma_start3A_44 = arith.constant 0 : i32
    %dma_start3A_45 = tpu.memref_slice %arg2[%dma_start3A_43, %select_n3A_9, %dma_start3A_44] : memref<8192x4x768xf32, #tpu.memory_space<hbm>> -> memref<8192x1x768xf32, #tpu.memory_space<hbm>>
    tpu.enqueue_indirect_dma source(%dma_start3A_45 : memref<8192x1x768xf32, #tpu.memory_space<hbm>>) target(%arg7 : memref<64x1x768xf32, #tpu.memory_space<vmem>>) offsets(%dma_start3A_42 : memref<64xi32, #tpu.memory_space<vmem>>) semaphore(%arg9 : memref<!tpu.dma_semaphore, #tpu.memory_space<semaphore_mem>>)
    %add3A_46 = arith.constant 0 : i32
    %add3A_47 = arith.addi %mul3A_32, %add3A_46 : i32
    %dma_start3A_48 = arith.constant 0 : i32
    %dma_start3A_49 = tpu.memref_slice %arg4[%add3A_47, %select_n3A_9, %dma_start3A_48] : memref<4096x4x768xf32, #tpu.memory_space<hbm>> -> memref<64x1x768xf32, #tpu.memory_space<hbm>>
    %dma_start3A_50 = arith.constant 0 : i32
    %dma_start3A_51 = tpu.memref_slice %arg4[%add3A_47, %select_n3A_9, %dma_start3A_50] : memref<4096x4x768xf32, #tpu.memory_space<hbm>> -> memref<64x1x768xf32, #tpu.memory_space<hbm>>
    tpu.enqueue_dma source(%arg6 : memref<64x1x768xf32, #tpu.memory_space<vmem>>) target(%dma_start3A_51 : memref<64x1x768xf32, #tpu.memory_space<hbm>>) target_semaphore(%arg10 : memref<!tpu.dma_semaphore, #tpu.memory_space<semaphore_mem>>)
    %dma_wait3A_52 = arith.constant 64 : i32
    %dma_wait3A_53 = tpu.memref_slice %arg5[%dma_wait3A_52] : memref<512xi32, #tpu.memory_space<vmem>> -> memref<64xi32, #tpu.memory_space<vmem>>
    %dma_wait3A_54 = arith.constant 0 : i32
    %dma_wait3A_55 = arith.constant 0 : i32
    %dma_wait3A_56 = tpu.memref_slice %arg2[%dma_wait3A_54, %select_n3A_9, %dma_wait3A_55] : memref<8192x4x768xf32, #tpu.memory_space<hbm>> -> memref<8192x1x768xf32, #tpu.memory_space<hbm>>
    tpu.wait_indirect_dma semaphore(%arg9 : memref<!tpu.dma_semaphore, #tpu.memory_space<semaphore_mem>>) src(%dma_wait3A_56 : memref<8192x1x768xf32, #tpu.memory_space<hbm>>) dst(%arg7 : memref<64x1x768xf32, #tpu.memory_space<vmem>>)
    %dma_wait3A_57 = arith.constant 0 : i32
    %dma_wait3A_58 = tpu.memref_slice %arg4[%add3A_47, %select_n3A_9, %dma_wait3A_57] : memref<4096x4x768xf32, #tpu.memory_space<hbm>> -> memref<64x1x768xf32, #tpu.memory_space<hbm>>
    %dma_wait3A_59 = arith.constant 0 : i32
    %dma_wait3A_60 = tpu.memref_slice %arg4[%add3A_47, %select_n3A_9, %dma_wait3A_59] : memref<4096x4x768xf32, #tpu.memory_space<hbm>> -> memref<64x1x768xf32, #tpu.memory_space<hbm>>
    tpu.wait_dma2 semaphore(%arg10 : memref<!tpu.dma_semaphore, #tpu.memory_space<semaphore_mem>>) src(%arg6 : memref<64x1x768xf32, #tpu.memory_space<vmem>>) dst(%dma_wait3A_60 : memref<64x1x768xf32, #tpu.memory_space<hbm>>)
    %dma_start3A_61 = arith.constant 128 : i32
    %dma_start3A_62 = tpu.memref_slice %arg5[%dma_start3A_61] : memref<512xi32, #tpu.memory_space<vmem>> -> memref<64xi32, #tpu.memory_space<vmem>>
    %dma_start3A_63 = arith.constant 0 : i32
    %dma_start3A_64 = arith.constant 0 : i32
    %dma_start3A_65 = tpu.memref_slice %arg2[%dma_start3A_63, %select_n3A_9, %dma_start3A_64] : memref<8192x4x768xf32, #tpu.memory_space<hbm>> -> memref<8192x1x768xf32, #tpu.memory_space<hbm>>
    tpu.enqueue_indirect_dma source(%dma_start3A_65 : memref<8192x1x768xf32, #tpu.memory_space<hbm>>) target(%arg6 : memref<64x1x768xf32, #tpu.memory_space<vmem>>) offsets(%dma_start3A_62 : memref<64xi32, #tpu.memory_space<vmem>>) semaphore(%arg8 : memref<!tpu.dma_semaphore, #tpu.memory_space<semaphore_mem>>)
    %add3A_66 = arith.constant 64 : i32
    %add3A_67 = arith.addi %mul3A_32, %add3A_66 : i32
    %dma_start3A_68 = arith.constant 0 : i32
    %dma_start3A_69 = tpu.memref_slice %arg4[%add3A_67, %select_n3A_9, %dma_start3A_68] : memref<4096x4x768xf32, #tpu.memory_space<hbm>> -> memref<64x1x768xf32, #tpu.memory_space<hbm>>
    %dma_start3A_70 = arith.constant 0 : i32
    %dma_start3A_71 = tpu.memref_slice %arg4[%add3A_67, %select_n3A_9, %dma_start3A_70] : memref<4096x4x768xf32, #tpu.memory_space<hbm>> -> memref<64x1x768xf32, #tpu.memory_space<hbm>>
    tpu.enqueue_dma source(%arg7 : memref<64x1x768xf32, #tpu.memory_space<vmem>>) target(%dma_start3A_71 : memref<64x1x768xf32, #tpu.memory_space<hbm>>) target_semaphore(%arg11 : memref<!tpu.dma_semaphore, #tpu.memory_space<semaphore_mem>>)
    %dma_wait3A_72 = arith.constant 128 : i32
    %dma_wait3A_73 = tpu.memref_slice %arg5[%dma_wait3A_72] : memref<512xi32, #tpu.memory_space<vmem>> -> memref<64xi32, #tpu.memory_space<vmem>>
    %dma_wait3A_74 = arith.constant 0 : i32
    %dma_wait3A_75 = arith.constant 0 : i32
    %dma_wait3A_76 = tpu.memref_slice %arg2[%dma_wait3A_74, %select_n3A_9, %dma_wait3A_75] : memref<8192x4x768xf32, #tpu.memory_space<hbm>> -> memref<8192x1x768xf32, #tpu.memory_space<hbm>>
    tpu.wait_indirect_dma semaphore(%arg8 : memref<!tpu.dma_semaphore, #tpu.memory_space<semaphore_mem>>) src(%dma_wait3A_76 : memref<8192x1x768xf32, #tpu.memory_space<hbm>>) dst(%arg6 : memref<64x1x768xf32, #tpu.memory_space<vmem>>)
    %dma_wait3A_77 = arith.constant 0 : i32
    %dma_wait3A_78 = tpu.memref_slice %arg4[%add3A_67, %select_n3A_9, %dma_wait3A_77] : memref<4096x4x768xf32, #tpu.memory_space<hbm>> -> memref<64x1x768xf32, #tpu.memory_space<hbm>>
    %dma_wait3A_79 = arith.constant 0 : i32
    %dma_wait3A_80 = tpu.memref_slice %arg4[%add3A_67, %select_n3A_9, %dma_wait3A_79] : memref<4096x4x768xf32, #tpu.memory_space<hbm>> -> memref<64x1x768xf32, #tpu.memory_space<hbm>>
    tpu.wait_dma2 semaphore(%arg11 : memref<!tpu.dma_semaphore, #tpu.memory_space<semaphore_mem>>) src(%arg7 : memref<64x1x768xf32, #tpu.memory_space<vmem>>) dst(%dma_wait3A_80 : memref<64x1x768xf32, #tpu.memory_space<hbm>>)
    %dma_start3A_81 = arith.constant 192 : i32
    %dma_start3A_82 = tpu.memref_slice %arg5[%dma_start3A_81] : memref<512xi32, #tpu.memory_space<vmem>> -> memref<64xi32, #tpu.memory_space<vmem>>
    %dma_start3A_83 = arith.constant 0 : i32
    %dma_start3A_84 = arith.constant 0 : i32
    %dma_start3A_85 = tpu.memref_slice %arg2[%dma_start3A_83, %select_n3A_9, %dma_start3A_84] : memref<8192x4x768xf32, #tpu.memory_space<hbm>> -> memref<8192x1x768xf32, #tpu.memory_space<hbm>>
    tpu.enqueue_indirect_dma source(%dma_start3A_85 : memref<8192x1x768xf32, #tpu.memory_space<hbm>>) target(%arg7 : memref<64x1x768xf32, #tpu.memory_space<vmem>>) offsets(%dma_start3A_82 : memref<64xi32, #tpu.memory_space<vmem>>) semaphore(%arg9 : memref<!tpu.dma_semaphore, #tpu.memory_space<semaphore_mem>>)
    %add3A_86 = arith.constant 128 : i32
    %add3A_87 = arith.addi %mul3A_32, %add3A_86 : i32
    %dma_start3A_88 = arith.constant 0 : i32
    %dma_start3A_89 = tpu.memref_slice %arg4[%add3A_87, %select_n3A_9, %dma_start3A_88] : memref<4096x4x768xf32, #tpu.memory_space<hbm>> -> memref<64x1x768xf32, #tpu.memory_space<hbm>>
    %dma_start3A_90 = arith.constant 0 : i32
    %dma_start3A_91 = tpu.memref_slice %arg4[%add3A_87, %select_n3A_9, %dma_start3A_90] : memref<4096x4x768xf32, #tpu.memory_space<hbm>> -> memref<64x1x768xf32, #tpu.memory_space<hbm>>
    tpu.enqueue_dma source(%arg6 : memref<64x1x768xf32, #tpu.memory_space<vmem>>) target(%dma_start3A_91 : memref<64x1x768xf32, #tpu.memory_space<hbm>>) target_semaphore(%arg10 : memref<!tpu.dma_semaphore, #tpu.memory_space<semaphore_mem>>)
    %dma_wait3A_92 = arith.constant 192 : i32
    %dma_wait3A_93 = tpu.memref_slice %arg5[%dma_wait3A_92] : memref<512xi32, #tpu.memory_space<vmem>> -> memref<64xi32, #tpu.memory_space<vmem>>
    %dma_wait3A_94 = arith.constant 0 : i32
    %dma_wait3A_95 = arith.constant 0 : i32
    %dma_wait3A_96 = tpu.memref_slice %arg2[%dma_wait3A_94, %select_n3A_9, %dma_wait3A_95] : memref<8192x4x768xf32, #tpu.memory_space<hbm>> -> memref<8192x1x768xf32, #tpu.memory_space<hbm>>
    tpu.wait_indirect_dma semaphore(%arg9 : memref<!tpu.dma_semaphore, #tpu.memory_space<semaphore_mem>>) src(%dma_wait3A_96 : memref<8192x1x768xf32, #tpu.memory_space<hbm>>) dst(%arg7 : memref<64x1x768xf32, #tpu.memory_space<vmem>>)
    %dma_wait3A_97 = arith.constant 0 : i32
    %dma_wait3A_98 = tpu.memref_slice %arg4[%add3A_87, %select_n3A_9, %dma_wait3A_97] : memref<4096x4x768xf32, #tpu.memory_space<hbm>> -> memref<64x1x768xf32, #tpu.memory_space<hbm>>
    %dma_wait3A_99 = arith.constant 0 : i32
    %dma_wait3A_100 = tpu.memref_slice %arg4[%add3A_87, %select_n3A_9, %dma_wait3A_99] : memref<4096x4x768xf32, #tpu.memory_space<hbm>> -> memref<64x1x768xf32, #tpu.memory_space<hbm>>
    tpu.wait_dma2 semaphore(%arg10 : memref<!tpu.dma_semaphore, #tpu.memory_space<semaphore_mem>>) src(%arg6 : memref<64x1x768xf32, #tpu.memory_space<vmem>>) dst(%dma_wait3A_100 : memref<64x1x768xf32, #tpu.memory_space<hbm>>)
    %dma_start3A_101 = arith.constant 256 : i32
    %dma_start3A_102 = tpu.memref_slice %arg5[%dma_start3A_101] : memref<512xi32, #tpu.memory_space<vmem>> -> memref<64xi32, #tpu.memory_space<vmem>>
    %dma_start3A_103 = arith.constant 0 : i32
    %dma_start3A_104 = arith.constant 0 : i32
    %dma_start3A_105 = tpu.memref_slice %arg2[%dma_start3A_103, %select_n3A_9, %dma_start3A_104] : memref<8192x4x768xf32, #tpu.memory_space<hbm>> -> memref<8192x1x768xf32, #tpu.memory_space<hbm>>
    tpu.enqueue_indirect_dma source(%dma_start3A_105 : memref<8192x1x768xf32, #tpu.memory_space<hbm>>) target(%arg6 : memref<64x1x768xf32, #tpu.memory_space<vmem>>) offsets(%dma_start3A_102 : memref<64xi32, #tpu.memory_space<vmem>>) semaphore(%arg8 : memref<!tpu.dma_semaphore, #tpu.memory_space<semaphore_mem>>)
    %add3A_106 = arith.constant 192 : i32
    %add3A_107 = arith.addi %mul3A_32, %add3A_106 : i32
    %dma_start3A_108 = arith.constant 0 : i32
    %dma_start3A_109 = tpu.memref_slice %arg4[%add3A_107, %select_n3A_9, %dma_start3A_108] : memref<4096x4x768xf32, #tpu.memory_space<hbm>> -> memref<64x1x768xf32, #tpu.memory_space<hbm>>
    %dma_start3A_110 = arith.constant 0 : i32
    %dma_start3A_111 = tpu.memref_slice %arg4[%add3A_107, %select_n3A_9, %dma_start3A_110] : memref<4096x4x768xf32, #tpu.memory_space<hbm>> -> memref<64x1x768xf32, #tpu.memory_space<hbm>>
    tpu.enqueue_dma source(%arg7 : memref<64x1x768xf32, #tpu.memory_space<vmem>>) target(%dma_start3A_111 : memref<64x1x768xf32, #tpu.memory_space<hbm>>) target_semaphore(%arg11 : memref<!tpu.dma_semaphore, #tpu.memory_space<semaphore_mem>>)
    %dma_wait3A_112 = arith.constant 256 : i32
    %dma_wait3A_113 = tpu.memref_slice %arg5[%dma_wait3A_112] : memref<512xi32, #tpu.memory_space<vmem>> -> memref<64xi32, #tpu.memory_space<vmem>>
    %dma_wait3A_114 = arith.constant 0 : i32
    %dma_wait3A_115 = arith.constant 0 : i32
    %dma_wait3A_116 = tpu.memref_slice %arg2[%dma_wait3A_114, %select_n3A_9, %dma_wait3A_115] : memref<8192x4x768xf32, #tpu.memory_space<hbm>> -> memref<8192x1x768xf32, #tpu.memory_space<hbm>>
    tpu.wait_indirect_dma semaphore(%arg8 : memref<!tpu.dma_semaphore, #tpu.memory_space<semaphore_mem>>) src(%dma_wait3A_116 : memref<8192x1x768xf32, #tpu.memory_space<hbm>>) dst(%arg6 : memref<64x1x768xf32, #tpu.memory_space<vmem>>)
    %dma_wait3A_117 = arith.constant 0 : i32
    %dma_wait3A_118 = tpu.memref_slice %arg4[%add3A_107, %select_n3A_9, %dma_wait3A_117] : memref<4096x4x768xf32, #tpu.memory_space<hbm>> -> memref<64x1x768xf32, #tpu.memory_space<hbm>>
    %dma_wait3A_119 = arith.constant 0 : i32
    %dma_wait3A_120 = tpu.memref_slice %arg4[%add3A_107, %select_n3A_9, %dma_wait3A_119] : memref<4096x4x768xf32, #tpu.memory_space<hbm>> -> memref<64x1x768xf32, #tpu.memory_space<hbm>>
    tpu.wait_dma2 semaphore(%arg11 : memref<!tpu.dma_semaphore, #tpu.memory_space<semaphore_mem>>) src(%arg7 : memref<64x1x768xf32, #tpu.memory_space<vmem>>) dst(%dma_wait3A_120 : memref<64x1x768xf32, #tpu.memory_space<hbm>>)
    %dma_start3A_121 = arith.constant 320 : i32
    %dma_start3A_122 = tpu.memref_slice %arg5[%dma_start3A_121] : memref<512xi32, #tpu.memory_space<vmem>> -> memref<64xi32, #tpu.memory_space<vmem>>
    %dma_start3A_123 = arith.constant 0 : i32
    %dma_start3A_124 = arith.constant 0 : i32
    %dma_start3A_125 = tpu.memref_slice %arg2[%dma_start3A_123, %select_n3A_9, %dma_start3A_124] : memref<8192x4x768xf32, #tpu.memory_space<hbm>> -> memref<8192x1x768xf32, #tpu.memory_space<hbm>>
    tpu.enqueue_indirect_dma source(%dma_start3A_125 : memref<8192x1x768xf32, #tpu.memory_space<hbm>>) target(%arg7 : memref<64x1x768xf32, #tpu.memory_space<vmem>>) offsets(%dma_start3A_122 : memref<64xi32, #tpu.memory_space<vmem>>) semaphore(%arg9 : memref<!tpu.dma_semaphore, #tpu.memory_space<semaphore_mem>>)
    %add3A_126 = arith.constant 256 : i32
    %add3A_127 = arith.addi %mul3A_32, %add3A_126 : i32
    %dma_start3A_128 = arith.constant 0 : i32
    %dma_start3A_129 = tpu.memref_slice %arg4[%add3A_127, %select_n3A_9, %dma_start3A_128] : memref<4096x4x768xf32, #tpu.memory_space<hbm>> -> memref<64x1x768xf32, #tpu.memory_space<hbm>>
    %dma_start3A_130 = arith.constant 0 : i32
    %dma_start3A_131 = tpu.memref_slice %arg4[%add3A_127, %select_n3A_9, %dma_start3A_130] : memref<4096x4x768xf32, #tpu.memory_space<hbm>> -> memref<64x1x768xf32, #tpu.memory_space<hbm>>
    tpu.enqueue_dma source(%arg6 : memref<64x1x768xf32, #tpu.memory_space<vmem>>) target(%dma_start3A_131 : memref<64x1x768xf32, #tpu.memory_space<hbm>>) target_semaphore(%arg10 : memref<!tpu.dma_semaphore, #tpu.memory_space<semaphore_mem>>)
    %dma_wait3A_132 = arith.constant 320 : i32
    %dma_wait3A_133 = tpu.memref_slice %arg5[%dma_wait3A_132] : memref<512xi32, #tpu.memory_space<vmem>> -> memref<64xi32, #tpu.memory_space<vmem>>
    %dma_wait3A_134 = arith.constant 0 : i32
    %dma_wait3A_135 = arith.constant 0 : i32
    %dma_wait3A_136 = tpu.memref_slice %arg2[%dma_wait3A_134, %select_n3A_9, %dma_wait3A_135] : memref<8192x4x768xf32, #tpu.memory_space<hbm>> -> memref<8192x1x768xf32, #tpu.memory_space<hbm>>
    tpu.wait_indirect_dma semaphore(%arg9 : memref<!tpu.dma_semaphore, #tpu.memory_space<semaphore_mem>>) src(%dma_wait3A_136 : memref<8192x1x768xf32, #tpu.memory_space<hbm>>) dst(%arg7 : memref<64x1x768xf32, #tpu.memory_space<vmem>>)
    %dma_wait3A_137 = arith.constant 0 : i32
    %dma_wait3A_138 = tpu.memref_slice %arg4[%add3A_127, %select_n3A_9, %dma_wait3A_137] : memref<4096x4x768xf32, #tpu.memory_space<hbm>> -> memref<64x1x768xf32, #tpu.memory_space<hbm>>
    %dma_wait3A_139 = arith.constant 0 : i32
    %dma_wait3A_140 = tpu.memref_slice %arg4[%add3A_127, %select_n3A_9, %dma_wait3A_139] : memref<4096x4x768xf32, #tpu.memory_space<hbm>> -> memref<64x1x768xf32, #tpu.memory_space<hbm>>
    tpu.wait_dma2 semaphore(%arg10 : memref<!tpu.dma_semaphore, #tpu.memory_space<semaphore_mem>>) src(%arg6 : memref<64x1x768xf32, #tpu.memory_space<vmem>>) dst(%dma_wait3A_140 : memref<64x1x768xf32, #tpu.memory_space<hbm>>)
    %dma_start3A_141 = arith.constant 384 : i32
    %dma_start3A_142 = tpu.memref_slice %arg5[%dma_start3A_141] : memref<512xi32, #tpu.memory_space<vmem>> -> memref<64xi32, #tpu.memory_space<vmem>>
    %dma_start3A_143 = arith.constant 0 : i32
    %dma_start3A_144 = arith.constant 0 : i32
    %dma_start3A_145 = tpu.memref_slice %arg2[%dma_start3A_143, %select_n3A_9, %dma_start3A_144] : memref<8192x4x768xf32, #tpu.memory_space<hbm>> -> memref<8192x1x768xf32, #tpu.memory_space<hbm>>
    tpu.enqueue_indirect_dma source(%dma_start3A_145 : memref<8192x1x768xf32, #tpu.memory_space<hbm>>) target(%arg6 : memref<64x1x768xf32, #tpu.memory_space<vmem>>) offsets(%dma_start3A_142 : memref<64xi32, #tpu.memory_space<vmem>>) semaphore(%arg8 : memref<!tpu.dma_semaphore, #tpu.memory_space<semaphore_mem>>)
    %add3A_146 = arith.constant 320 : i32
    %add3A_147 = arith.addi %mul3A_32, %add3A_146 : i32
    %dma_start3A_148 = arith.constant 0 : i32
    %dma_start3A_149 = tpu.memref_slice %arg4[%add3A_147, %select_n3A_9, %dma_start3A_148] : memref<4096x4x768xf32, #tpu.memory_space<hbm>> -> memref<64x1x768xf32, #tpu.memory_space<hbm>>
    %dma_start3A_150 = arith.constant 0 : i32
    %dma_start3A_151 = tpu.memref_slice %arg4[%add3A_147, %select_n3A_9, %dma_start3A_150] : memref<4096x4x768xf32, #tpu.memory_space<hbm>> -> memref<64x1x768xf32, #tpu.memory_space<hbm>>
    tpu.enqueue_dma source(%arg7 : memref<64x1x768xf32, #tpu.memory_space<vmem>>) target(%dma_start3A_151 : memref<64x1x768xf32, #tpu.memory_space<hbm>>) target_semaphore(%arg11 : memref<!tpu.dma_semaphore, #tpu.memory_space<semaphore_mem>>)
    %dma_wait3A_152 = arith.constant 384 : i32
    %dma_wait3A_153 = tpu.memref_slice %arg5[%dma_wait3A_152] : memref<512xi32, #tpu.memory_space<vmem>> -> memref<64xi32, #tpu.memory_space<vmem>>
    %dma_wait3A_154 = arith.constant 0 : i32
    %dma_wait3A_155 = arith.constant 0 : i32
    %dma_wait3A_156 = tpu.memref_slice %arg2[%dma_wait3A_154, %select_n3A_9, %dma_wait3A_155] : memref<8192x4x768xf32, #tpu.memory_space<hbm>> -> memref<8192x1x768xf32, #tpu.memory_space<hbm>>
    tpu.wait_indirect_dma semaphore(%arg8 : memref<!tpu.dma_semaphore, #tpu.memory_space<semaphore_mem>>) src(%dma_wait3A_156 : memref<8192x1x768xf32, #tpu.memory_space<hbm>>) dst(%arg6 : memref<64x1x768xf32, #tpu.memory_space<vmem>>)
    %dma_wait3A_157 = arith.constant 0 : i32
    %dma_wait3A_158 = tpu.memref_slice %arg4[%add3A_147, %select_n3A_9, %dma_wait3A_157] : memref<4096x4x768xf32, #tpu.memory_space<hbm>> -> memref<64x1x768xf32, #tpu.memory_space<hbm>>
    %dma_wait3A_159 = arith.constant 0 : i32
    %dma_wait3A_160 = tpu.memref_slice %arg4[%add3A_147, %select_n3A_9, %dma_wait3A_159] : memref<4096x4x768xf32, #tpu.memory_space<hbm>> -> memref<64x1x768xf32, #tpu.memory_space<hbm>>
    tpu.wait_dma2 semaphore(%arg11 : memref<!tpu.dma_semaphore, #tpu.memory_space<semaphore_mem>>) src(%arg7 : memref<64x1x768xf32, #tpu.memory_space<vmem>>) dst(%dma_wait3A_160 : memref<64x1x768xf32, #tpu.memory_space<hbm>>)
    %dma_start3A_161 = arith.constant 448 : i32
    %dma_start3A_162 = tpu.memref_slice %arg5[%dma_start3A_161] : memref<512xi32, #tpu.memory_space<vmem>> -> memref<64xi32, #tpu.memory_space<vmem>>
    %dma_start3A_163 = arith.constant 0 : i32
    %dma_start3A_164 = arith.constant 0 : i32
    %dma_start3A_165 = tpu.memref_slice %arg2[%dma_start3A_163, %select_n3A_9, %dma_start3A_164] : memref<8192x4x768xf32, #tpu.memory_space<hbm>> -> memref<8192x1x768xf32, #tpu.memory_space<hbm>>
    tpu.enqueue_indirect_dma source(%dma_start3A_165 : memref<8192x1x768xf32, #tpu.memory_space<hbm>>) target(%arg7 : memref<64x1x768xf32, #tpu.memory_space<vmem>>) offsets(%dma_start3A_162 : memref<64xi32, #tpu.memory_space<vmem>>) semaphore(%arg9 : memref<!tpu.dma_semaphore, #tpu.memory_space<semaphore_mem>>)
    %add3A_166 = arith.constant 384 : i32
    %add3A_167 = arith.addi %mul3A_32, %add3A_166 : i32
    %dma_start3A_168 = arith.constant 0 : i32
    %dma_start3A_169 = tpu.memref_slice %arg4[%add3A_167, %select_n3A_9, %dma_start3A_168] : memref<4096x4x768xf32, #tpu.memory_space<hbm>> -> memref<64x1x768xf32, #tpu.memory_space<hbm>>
    %dma_start3A_170 = arith.constant 0 : i32
    %dma_start3A_171 = tpu.memref_slice %arg4[%add3A_167, %select_n3A_9, %dma_start3A_170] : memref<4096x4x768xf32, #tpu.memory_space<hbm>> -> memref<64x1x768xf32, #tpu.memory_space<hbm>>
    tpu.enqueue_dma source(%arg6 : memref<64x1x768xf32, #tpu.memory_space<vmem>>) target(%dma_start3A_171 : memref<64x1x768xf32, #tpu.memory_space<hbm>>) target_semaphore(%arg10 : memref<!tpu.dma_semaphore, #tpu.memory_space<semaphore_mem>>)
    %dma_wait3A_172 = arith.constant 448 : i32
    %dma_wait3A_173 = tpu.memref_slice %arg5[%dma_wait3A_172] : memref<512xi32, #tpu.memory_space<vmem>> -> memref<64xi32, #tpu.memory_space<vmem>>
    %dma_wait3A_174 = arith.constant 0 : i32
    %dma_wait3A_175 = arith.constant 0 : i32
    %dma_wait3A_176 = tpu.memref_slice %arg2[%dma_wait3A_174, %select_n3A_9, %dma_wait3A_175] : memref<8192x4x768xf32, #tpu.memory_space<hbm>> -> memref<8192x1x768xf32, #tpu.memory_space<hbm>>
    tpu.wait_indirect_dma semaphore(%arg9 : memref<!tpu.dma_semaphore, #tpu.memory_space<semaphore_mem>>) src(%dma_wait3A_176 : memref<8192x1x768xf32, #tpu.memory_space<hbm>>) dst(%arg7 : memref<64x1x768xf32, #tpu.memory_space<vmem>>)
    %add3A_177 = arith.constant 448 : i32
    %add3A_178 = arith.addi %mul3A_32, %add3A_177 : i32
    %dma_start3A_179 = arith.constant 0 : i32
    %dma_start3A_180 = tpu.memref_slice %arg4[%add3A_178, %select_n3A_9, %dma_start3A_179] : memref<4096x4x768xf32, #tpu.memory_space<hbm>> -> memref<64x1x768xf32, #tpu.memory_space<hbm>>
    %dma_start3A_181 = arith.constant 0 : i32
    %dma_start3A_182 = tpu.memref_slice %arg4[%add3A_178, %select_n3A_9, %dma_start3A_181] : memref<4096x4x768xf32, #tpu.memory_space<hbm>> -> memref<64x1x768xf32, #tpu.memory_space<hbm>>
    tpu.enqueue_dma source(%arg7 : memref<64x1x768xf32, #tpu.memory_space<vmem>>) target(%dma_start3A_182 : memref<64x1x768xf32, #tpu.memory_space<hbm>>) target_semaphore(%arg11 : memref<!tpu.dma_semaphore, #tpu.memory_space<semaphore_mem>>)
    %dma_wait3A_183 = arith.constant 0 : i32
    %dma_wait3A_184 = tpu.memref_slice %arg4[%add3A_167, %select_n3A_9, %dma_wait3A_183] : memref<4096x4x768xf32, #tpu.memory_space<hbm>> -> memref<64x1x768xf32, #tpu.memory_space<hbm>>
    %dma_wait3A_185 = arith.constant 0 : i32
    %dma_wait3A_186 = tpu.memref_slice %arg4[%add3A_167, %select_n3A_9, %dma_wait3A_185] : memref<4096x4x768xf32, #tpu.memory_space<hbm>> -> memref<64x1x768xf32, #tpu.memory_space<hbm>>
    tpu.wait_dma2 semaphore(%arg10 : memref<!tpu.dma_semaphore, #tpu.memory_space<semaphore_mem>>) src(%arg6 : memref<64x1x768xf32, #tpu.memory_space<vmem>>) dst(%dma_wait3A_186 : memref<64x1x768xf32, #tpu.memory_space<hbm>>)
    %dma_wait3A_187 = arith.constant 0 : i32
    %dma_wait3A_188 = tpu.memref_slice %arg4[%add3A_178, %select_n3A_9, %dma_wait3A_187] : memref<4096x4x768xf32, #tpu.memory_space<hbm>> -> memref<64x1x768xf32, #tpu.memory_space<hbm>>
    %dma_wait3A_189 = arith.constant 0 : i32
    %dma_wait3A_190 = tpu.memref_slice %arg4[%add3A_178, %select_n3A_9, %dma_wait3A_189] : memref<4096x4x768xf32, #tpu.memory_space<hbm>> -> memref<64x1x768xf32, #tpu.memory_space<hbm>>
    tpu.wait_dma2 semaphore(%arg11 : memref<!tpu.dma_semaphore, #tpu.memory_space<semaphore_mem>>) src(%arg7 : memref<64x1x768xf32, #tpu.memory_space<vmem>>) dst(%dma_wait3A_190 : memref<64x1x768xf32, #tpu.memory_space<hbm>>)
    return
  }
}

module attributes {stable_mosaic.version = 14 : i64} {
  func.func @_scores_body(%arg0: i32, %arg1: memref<512x4x768xf32, #tpu.memory_space<vmem>>, %arg2: memref<1x768xf32, #tpu.memory_space<vmem>>, %arg3: memref<512x4xf32, #tpu.memory_space<vmem>>) attributes {dimension_semantics = [#tpu.dimension_semantics<arbitrary>], iteration_bounds = array<i64: 16>, scalar_prefetch = 0 : i64, scratch_operands = 0 : i64, tpu.core_type = #tpu.core_type<tc>, window_params = [{transform_indices = @transform_0, window_bounds = array<i64: 512, 4, 768>}, {pipeline_mode = #tpu.pipeline_mode<synchronous>, transform_indices = @transform_1, window_bounds = array<i64: 1, 768>}, {transform_indices = @transform_2, window_bounds = array<i64: 512, 4>}]} {
    %get3A = arith.constant 0 : index
    %get3A_0 = arith.constant 0 : index
    %get3A_1 = arith.constant 0 : index
    %get3A_2 = vector.load %arg1[%get3A, %get3A_0, %get3A_1] : memref<512x4x768xf32, #tpu.memory_space<vmem>>, vector<512x4x768xf32>
    %reshape3A = vector.shape_cast %get3A_2 : vector<512x4x768xf32> to vector<2048x768xf32>
    %get3A_3 = arith.constant 0 : index
    %get3A_4 = arith.constant 0 : index
    %get3A_5 = vector.load %arg2[%get3A_3, %get3A_4] : memref<1x768xf32, #tpu.memory_space<vmem>>, vector<1x768xf32>
    %reshape3A_6 = vector.shape_cast %get3A_5 : vector<1x768xf32> to vector<768x1xf32>
    %dot_general3A = arith.constant dense<0.000000e+00> : vector<2048x1xf32>
    %dot_general3A_7 = tpu.matmul %reshape3A, %reshape3A_6, %dot_general3A {dimension_numbers = #tpu.dot_dimension_numbers<[1], [0], [0], [1], [0, 0, 1, 1], [], []>, transpose_lhs_hint = false} : vector<2048x768xf32>, vector<768x1xf32>, vector<2048x1xf32> -> vector<2048x1xf32>
    %reshape3A_8 = vector.shape_cast %dot_general3A_7 : vector<2048x1xf32> to vector<512x4xf32>
    %swap3A = arith.constant 0 : index
    %swap3A_9 = arith.constant 0 : index
    %swap3A_10 = vector.load %arg3[%swap3A, %swap3A_9] : memref<512x4xf32, #tpu.memory_space<vmem>>, vector<512x4xf32>
    tpu.vector_store %arg3[%swap3A, %swap3A_9], %reshape3A_8 {strides = array<i32>} : memref<512x4xf32, #tpu.memory_space<vmem>>, vector<512x4xf32>,
    return
  }
  func.func @transform_0(%arg0: i32) -> (i32, i32, i32) {
    %c0_i32 = arith.constant 0 : i32
    %c0_i32_0 = arith.constant 0 : i32
    %c0_i32_1 = arith.constant 0 : i32
    return %arg0, %c0_i32, %c0_i32_0 : i32, i32, i32
  }
  func.func @transform_1(%arg0: i32) -> (i32, i32) {
    %c0_i32 = arith.constant 0 : i32
    %c0_i32_0 = arith.constant 0 : i32
    %c0_i32_1 = arith.constant 0 : i32
    return %c0_i32, %c0_i32_0 : i32, i32
  }
  func.func @transform_2(%arg0: i32) -> (i32, i32) {
    %c0_i32 = arith.constant 0 : i32
    %c0_i32_0 = arith.constant 0 : i32
    return %arg0, %c0_i32 : i32, i32
  }
}

module attributes {stable_mosaic.version = 14 : i64} {
  func.func @_sort_body(%arg0: memref<4x64x128xf32, #tpu.memory_space<vmem>>, %arg1: memref<4x32x128xi32, #tpu.memory_space<vmem>>, %arg2: memref<4x32x128xf32, #tpu.memory_space<vmem>>, %arg3: memref<4x64x128xf32, #tpu.memory_space<vmem>>, %arg4: memref<4x64x128xi32, #tpu.memory_space<vmem>>, %arg5: memref<4x32x128xi32, #tpu.memory_space<vmem>>, %arg6: memref<4x32x128xf32, #tpu.memory_space<vmem>>) attributes {dimension_semantics = [], scalar_prefetch = 0 : i64, scratch_operands = 4 : i64, tpu.core_type = #tpu.core_type<tc>} {
    %iota3A = tpu.iota {dimensions = array<i32: 1>} : vector<4x64x128xi32>
    %mul3A = arith.constant 128 : i32
    %mul3A_0 = vector.broadcast %mul3A : i32 to vector<4x64x128xi32>
    %mul3A_1 = arith.muli %iota3A, %mul3A_0 : vector<4x64x128xi32>
    %iota3A_2 = tpu.iota {dimensions = array<i32: 2>} : vector<4x64x128xi32>
    %add3A = arith.addi %mul3A_1, %iota3A_2 : vector<4x64x128xi32>
    %get3A = arith.constant 0 : index
    %get3A_3 = arith.constant 0 : index
    %get3A_4 = arith.constant 0 : index
    %get3A_5 = vector.load %arg0[%get3A, %get3A_3, %get3A_4] : memref<4x64x128xf32, #tpu.memory_space<vmem>>, vector<4x64x128xf32>
    %swap3A = arith.constant 0 : index
    %swap3A_6 = arith.constant 0 : index
    %swap3A_7 = arith.constant 0 : index
    %swap3A_8 = vector.load %arg3[%swap3A, %swap3A_6, %swap3A_7] : memref<4x64x128xf32, #tpu.memory_space<vmem>>, vector<4x64x128xf32>
    tpu.vector_store %arg3[%swap3A, %swap3A_6, %swap3A_7], %get3A_5 {strides = array<i32>} : memref<4x64x128xf32, #tpu.memory_space<vmem>>, vector<4x64x128xf32>,
    %swap3A_9 = arith.constant 0 : index
    %swap3A_10 = arith.constant 0 : index
    %swap3A_11 = arith.constant 0 : index
    %swap3A_12 = vector.load %arg4[%swap3A_9, %swap3A_10, %swap3A_11] : memref<4x64x128xi32, #tpu.memory_space<vmem>>, vector<4x64x128xi32>
    tpu.vector_store %arg4[%swap3A_9, %swap3A_10, %swap3A_11], %add3A {strides = array<i32>} : memref<4x64x128xi32, #tpu.memory_space<vmem>>, vector<4x64x128xi32>,
    %scan3A = arith.constant 1 : i32
    %scan3A_13 = arith.constant 1 : i32
    %scan3A_14 = arith.constant 7 : i32
    %scan3A_15 = arith.addi %scan3A_13, %scan3A_14 : i32
    %scan3A_16 = arith.constant 1 : i32
    scf.for %scan3A_87 = %scan3A_13 to %scan3A_15 step %scan3A_16  : i32 {
      %while3A = arith.constant 0 : i32
      %while3A_88 = arith.subi %scan3A_87, %while3A : i32
      %while3A_89 = arith.addi %while3A, %while3A_88 : i32
      %while3A_90 = arith.constant 1 : i32
      %while3A_91 = arith.divsi %while3A_88, %while3A_90 : i32
      %while3A_92 = arith.muli %while3A_91, %while3A_90 : i32
      %while3A_93 = arith.addi %while3A, %while3A_92 : i32
      %while3A_94 = arith.constant 1 : i32
      scf.for %while3A_96 = %while3A to %while3A_93 step %while3A_94  : i32 {
        %sub3A_97 = arith.constant 1 : i32
        %sub3A_98 = arith.subi %scan3A_87, %sub3A_97 : i32
        %sub3A_99 = arith.subi %sub3A_98, %while3A_96 : i32
        %shift_left3A = arith.shli %scan3A, %sub3A_99 : i32
        %shift_left3A_100 = arith.shli %scan3A, %scan3A_87 : i32
        %get3A_101 = arith.constant 0 : index
        %get3A_102 = arith.constant 0 : index
        %get3A_103 = arith.constant 0 : index
        %get3A_104 = vector.load %arg3[%get3A_101, %get3A_102, %get3A_103] : memref<4x64x128xf32, #tpu.memory_space<vmem>>, vector<4x64x128xf32>
        %get3A_105 = arith.constant 0 : index
        %get3A_106 = arith.constant 0 : index
        %get3A_107 = arith.constant 0 : index
        %get3A_108 = vector.load %arg4[%get3A_105, %get3A_106, %get3A_107] : memref<4x64x128xi32, #tpu.memory_space<vmem>>, vector<4x64x128xi32>
        %and3A = vector.broadcast %shift_left3A : i32 to vector<4x64x128xi32>
        %and3A_109 = arith.andi %add3A, %and3A : vector<4x64x128xi32>
        %eq3A = arith.constant 0 : i32
        %eq3A_110 = vector.broadcast %eq3A : i32 to vector<4x64x128xi32>
        %eq3A_111 = arith.cmpi eq, %and3A_109, %eq3A_110 : vector<4x64x128xi32>
        %and3A_112 = vector.broadcast %shift_left3A_100 : i32 to vector<4x64x128xi32>
        %and3A_113 = arith.andi %add3A, %and3A_112 : vector<4x64x128xi32>
        %eq3A_114 = arith.constant 0 : i32
        %eq3A_115 = vector.broadcast %eq3A_114 : i32 to vector<4x64x128xi32>
        %eq3A_116 = arith.cmpi eq, %and3A_113, %eq3A_115 : vector<4x64x128xi32>
        %sub3A_117 = arith.constant 128 : i32
        %sub3A_118 = arith.subi %sub3A_117, %shift_left3A : i32
        %roll3A = tpu.dynamic_rotate %get3A_104 by %sub3A_118 dim 2 : vector<4x64x128xf32>, i32 -> vector<4x64x128xf32>
        %roll3A_119 = tpu.dynamic_rotate %get3A_104 by %shift_left3A dim 2 : vector<4x64x128xf32>, i32 -> vector<4x64x128xf32>
        %select_n3A = arith.select %eq3A_111, %roll3A, %roll3A_119 : vector<4x64x128xi1>, vector<4x64x128xf32>
        %sub3A_120 = arith.constant 128 : i32
        %sub3A_121 = arith.subi %sub3A_120, %shift_left3A : i32
        %roll3A_122 = tpu.dynamic_rotate %get3A_108 by %sub3A_121 dim 2 : vector<4x64x128xi32>, i32 -> vector<4x64x128xi32>
        %roll3A_123 = tpu.dynamic_rotate %get3A_108 by %shift_left3A dim 2 : vector<4x64x128xi32>, i32 -> vector<4x64x128xi32>
        %select_n3A_124 = arith.select %eq3A_111, %roll3A_122, %roll3A_123 : vector<4x64x128xi1>, vector<4x64x128xi32>
        %gt3A = arith.cmpf ogt, %get3A_104, %select_n3A : vector<4x64x128xf32>
        %eq3A_125 = arith.cmpf oeq, %get3A_104, %select_n3A : vector<4x64x128xf32>
        %lt3A = arith.cmpi slt, %get3A_108, %select_n3A_124 : vector<4x64x128xi32>
        %and3A_126 = arith.andi %eq3A_125, %lt3A : vector<4x64x128xi1>
        %or3A = arith.ori %gt3A, %and3A_126 : vector<4x64x128xi1>
        %eq3A_127 = arith.xori %eq3A_111, %eq3A_116 : vector<4x64x128xi1>
        %eq3A_128 = arith.constant dense<true> : vector<4x64x128xi1>
        %eq3A_129 = arith.xori %eq3A_127, %eq3A_128 : vector<4x64x128xi1>
        %xor3A = arith.xori %eq3A_129, %or3A : vector<4x64x128xi1>
        %select_n3A_130 = arith.select %xor3A, %select_n3A, %get3A_104 : vector<4x64x128xi1>, vector<4x64x128xf32>
        %swap3A_131 = arith.constant 0 : index
        %swap3A_132 = arith.constant 0 : index
        %swap3A_133 = arith.constant 0 : index
        %swap3A_134 = vector.load %arg3[%swap3A_131, %swap3A_132, %swap3A_133] : memref<4x64x128xf32, #tpu.memory_space<vmem>>, vector<4x64x128xf32>
        tpu.vector_store %arg3[%swap3A_131, %swap3A_132, %swap3A_133], %select_n3A_130 {strides = array<i32>} : memref<4x64x128xf32, #tpu.memory_space<vmem>>, vector<4x64x128xf32>,
        %select_n3A_135 = arith.select %xor3A, %select_n3A_124, %get3A_108 : vector<4x64x128xi1>, vector<4x64x128xi32>
        %swap3A_136 = arith.constant 0 : index
        %swap3A_137 = arith.constant 0 : index
        %swap3A_138 = arith.constant 0 : index
        %swap3A_139 = vector.load %arg4[%swap3A_136, %swap3A_137, %swap3A_138] : memref<4x64x128xi32, #tpu.memory_space<vmem>>, vector<4x64x128xi32>
        tpu.vector_store %arg4[%swap3A_136, %swap3A_137, %swap3A_138], %select_n3A_135 {strides = array<i32>} : memref<4x64x128xi32, #tpu.memory_space<vmem>>, vector<4x64x128xi32>,
      }
      %while3A_95 = arith.constant 1 : i32
      scf.for %while3A_96 = %while3A_93 to %while3A_89 step %while3A_95  : i32 {
        %sub3A_97 = arith.constant 1 : i32
        %sub3A_98 = arith.subi %scan3A_87, %sub3A_97 : i32
        %sub3A_99 = arith.subi %sub3A_98, %while3A_96 : i32
        %shift_left3A = arith.shli %scan3A, %sub3A_99 : i32
        %shift_left3A_100 = arith.shli %scan3A, %scan3A_87 : i32
        %get3A_101 = arith.constant 0 : index
        %get3A_102 = arith.constant 0 : index
        %get3A_103 = arith.constant 0 : index
        %get3A_104 = vector.load %arg3[%get3A_101, %get3A_102, %get3A_103] : memref<4x64x128xf32, #tpu.memory_space<vmem>>, vector<4x64x128xf32>
        %get3A_105 = arith.constant 0 : index
        %get3A_106 = arith.constant 0 : index
        %get3A_107 = arith.constant 0 : index
        %get3A_108 = vector.load %arg4[%get3A_105, %get3A_106, %get3A_107] : memref<4x64x128xi32, #tpu.memory_space<vmem>>, vector<4x64x128xi32>
        %and3A = vector.broadcast %shift_left3A : i32 to vector<4x64x128xi32>
        %and3A_109 = arith.andi %add3A, %and3A : vector<4x64x128xi32>
        %eq3A = arith.constant 0 : i32
        %eq3A_110 = vector.broadcast %eq3A : i32 to vector<4x64x128xi32>
        %eq3A_111 = arith.cmpi eq, %and3A_109, %eq3A_110 : vector<4x64x128xi32>
        %and3A_112 = vector.broadcast %shift_left3A_100 : i32 to vector<4x64x128xi32>
        %and3A_113 = arith.andi %add3A, %and3A_112 : vector<4x64x128xi32>
        %eq3A_114 = arith.constant 0 : i32
        %eq3A_115 = vector.broadcast %eq3A_114 : i32 to vector<4x64x128xi32>
        %eq3A_116 = arith.cmpi eq, %and3A_113, %eq3A_115 : vector<4x64x128xi32>
        %sub3A_117 = arith.constant 128 : i32
        %sub3A_118 = arith.subi %sub3A_117, %shift_left3A : i32
        %roll3A = tpu.dynamic_rotate %get3A_104 by %sub3A_118 dim 2 : vector<4x64x128xf32>, i32 -> vector<4x64x128xf32>
        %roll3A_119 = tpu.dynamic_rotate %get3A_104 by %shift_left3A dim 2 : vector<4x64x128xf32>, i32 -> vector<4x64x128xf32>
        %select_n3A = arith.select %eq3A_111, %roll3A, %roll3A_119 : vector<4x64x128xi1>, vector<4x64x128xf32>
        %sub3A_120 = arith.constant 128 : i32
        %sub3A_121 = arith.subi %sub3A_120, %shift_left3A : i32
        %roll3A_122 = tpu.dynamic_rotate %get3A_108 by %sub3A_121 dim 2 : vector<4x64x128xi32>, i32 -> vector<4x64x128xi32>
        %roll3A_123 = tpu.dynamic_rotate %get3A_108 by %shift_left3A dim 2 : vector<4x64x128xi32>, i32 -> vector<4x64x128xi32>
        %select_n3A_124 = arith.select %eq3A_111, %roll3A_122, %roll3A_123 : vector<4x64x128xi1>, vector<4x64x128xi32>
        %gt3A = arith.cmpf ogt, %get3A_104, %select_n3A : vector<4x64x128xf32>
        %eq3A_125 = arith.cmpf oeq, %get3A_104, %select_n3A : vector<4x64x128xf32>
        %lt3A = arith.cmpi slt, %get3A_108, %select_n3A_124 : vector<4x64x128xi32>
        %and3A_126 = arith.andi %eq3A_125, %lt3A : vector<4x64x128xi1>
        %or3A = arith.ori %gt3A, %and3A_126 : vector<4x64x128xi1>
        %eq3A_127 = arith.xori %eq3A_111, %eq3A_116 : vector<4x64x128xi1>
        %eq3A_128 = arith.constant dense<true> : vector<4x64x128xi1>
        %eq3A_129 = arith.xori %eq3A_127, %eq3A_128 : vector<4x64x128xi1>
        %xor3A = arith.xori %eq3A_129, %or3A : vector<4x64x128xi1>
        %select_n3A_130 = arith.select %xor3A, %select_n3A, %get3A_104 : vector<4x64x128xi1>, vector<4x64x128xf32>
        %swap3A_131 = arith.constant 0 : index
        %swap3A_132 = arith.constant 0 : index
        %swap3A_133 = arith.constant 0 : index
        %swap3A_134 = vector.load %arg3[%swap3A_131, %swap3A_132, %swap3A_133] : memref<4x64x128xf32, #tpu.memory_space<vmem>>, vector<4x64x128xf32>
        tpu.vector_store %arg3[%swap3A_131, %swap3A_132, %swap3A_133], %select_n3A_130 {strides = array<i32>} : memref<4x64x128xf32, #tpu.memory_space<vmem>>, vector<4x64x128xf32>,
        %select_n3A_135 = arith.select %xor3A, %select_n3A_124, %get3A_108 : vector<4x64x128xi1>, vector<4x64x128xi32>
        %swap3A_136 = arith.constant 0 : index
        %swap3A_137 = arith.constant 0 : index
        %swap3A_138 = arith.constant 0 : index
        %swap3A_139 = vector.load %arg4[%swap3A_136, %swap3A_137, %swap3A_138] : memref<4x64x128xi32, #tpu.memory_space<vmem>>, vector<4x64x128xi32>
        tpu.vector_store %arg4[%swap3A_136, %swap3A_137, %swap3A_138], %select_n3A_135 {strides = array<i32>} : memref<4x64x128xi32, #tpu.memory_space<vmem>>, vector<4x64x128xi32>,
      }
    }
    %scan3A_17 = arith.constant 7 : i32
    %scan3A_18 = arith.constant 1 : i32
    %scan3A_19 = arith.constant 8 : i32
    %scan3A_20 = arith.constant 6 : i32
    %scan3A_21 = arith.addi %scan3A_19, %scan3A_20 : i32
    %scan3A_22 = arith.constant 1 : i32
    scf.for %scan3A_87 = %scan3A_19 to %scan3A_21 step %scan3A_22  : i32 {
      %sub3A_88 = arith.constant 7 : i32
      %sub3A_89 = arith.subi %scan3A_87, %sub3A_88 : i32
      %while3A = arith.constant 0 : i32
      %while3A_90 = arith.subi %sub3A_89, %while3A : i32
      %while3A_91 = arith.addi %while3A, %while3A_90 : i32
      %while3A_92 = arith.constant 1 : i32
      %while3A_93 = arith.divsi %while3A_90, %while3A_92 : i32
      %while3A_94 = arith.muli %while3A_93, %while3A_92 : i32
      %while3A_95 = arith.addi %while3A, %while3A_94 : i32
      %while3A_96 = arith.constant 1 : i32
      scf.for %while3A_103 = %while3A to %while3A_95 step %while3A_96  : i32 {
        %sub3A_104 = arith.constant 1 : i32
        %sub3A_105 = arith.subi %scan3A_87, %sub3A_104 : i32
        %sub3A_106 = arith.subi %sub3A_105, %while3A_103 : i32
        %shift_left3A = arith.shli %scan3A_18, %sub3A_106 : i32
        %shift_left3A_107 = arith.shli %scan3A_18, %scan3A_87 : i32
        %shift_right_logical3A = arith.constant 7 : i32
        %shift_right_logical3A_108 = arith.shrui %shift_left3A, %shift_right_logical3A : i32
        %get3A_109 = arith.constant 0 : index
        %get3A_110 = arith.constant 0 : index
        %get3A_111 = arith.constant 0 : index
        %get3A_112 = vector.load %arg3[%get3A_109, %get3A_110, %get3A_111] : memref<4x64x128xf32, #tpu.memory_space<vmem>>, vector<4x64x128xf32>
        %get3A_113 = arith.constant 0 : index
        %get3A_114 = arith.constant 0 : index
        %get3A_115 = arith.constant 0 : index
        %get3A_116 = vector.load %arg4[%get3A_113, %get3A_114, %get3A_115] : memref<4x64x128xi32, #tpu.memory_space<vmem>>, vector<4x64x128xi32>
        %and3A = vector.broadcast %shift_left3A : i32 to vector<4x64x128xi32>
        %and3A_117 = arith.andi %add3A, %and3A : vector<4x64x128xi32>
        %eq3A = arith.constant 0 : i32
        %eq3A_118 = vector.broadcast %eq3A : i32 to vector<4x64x128xi32>
        %eq3A_119 = arith.cmpi eq, %and3A_117, %eq3A_118 : vector<4x64x128xi32>
        %and3A_120 = vector.broadcast %shift_left3A_107 : i32 to vector<4x64x128xi32>
        %and3A_121 = arith.andi %add3A, %and3A_120 : vector<4x64x128xi32>
        %eq3A_122 = arith.constant 0 : i32
        %eq3A_123 = vector.broadcast %eq3A_122 : i32 to vector<4x64x128xi32>
        %eq3A_124 = arith.cmpi eq, %and3A_121, %eq3A_123 : vector<4x64x128xi32>
        %sub3A_125 = arith.constant 64 : i32
        %sub3A_126 = arith.subi %sub3A_125, %shift_right_logical3A_108 : i32
        %roll3A = tpu.dynamic_rotate %get3A_112 by %sub3A_126 dim 1 : vector<4x64x128xf32>, i32 -> vector<4x64x128xf32>
        %roll3A_127 = tpu.dynamic_rotate %get3A_112 by %shift_right_logical3A_108 dim 1 : vector<4x64x128xf32>, i32 -> vector<4x64x128xf32>
        %select_n3A = arith.select %eq3A_119, %roll3A, %roll3A_127 : vector<4x64x128xi1>, vector<4x64x128xf32>
        %sub3A_128 = arith.constant 64 : i32
        %sub3A_129 = arith.subi %sub3A_128, %shift_right_logical3A_108 : i32
        %roll3A_130 = tpu.dynamic_rotate %get3A_116 by %sub3A_129 dim 1 : vector<4x64x128xi32>, i32 -> vector<4x64x128xi32>
        %roll3A_131 = tpu.dynamic_rotate %get3A_116 by %shift_right_logical3A_108 dim 1 : vector<4x64x128xi32>, i32 -> vector<4x64x128xi32>
        %select_n3A_132 = arith.select %eq3A_119, %roll3A_130, %roll3A_131 : vector<4x64x128xi1>, vector<4x64x128xi32>
        %gt3A = arith.cmpf ogt, %get3A_112, %select_n3A : vector<4x64x128xf32>
        %eq3A_133 = arith.cmpf oeq, %get3A_112, %select_n3A : vector<4x64x128xf32>
        %lt3A = arith.cmpi slt, %get3A_116, %select_n3A_132 : vector<4x64x128xi32>
        %and3A_134 = arith.andi %eq3A_133, %lt3A : vector<4x64x128xi1>
        %or3A = arith.ori %gt3A, %and3A_134 : vector<4x64x128xi1>
        %eq3A_135 = arith.xori %eq3A_119, %eq3A_124 : vector<4x64x128xi1>
        %eq3A_136 = arith.constant dense<true> : vector<4x64x128xi1>
        %eq3A_137 = arith.xori %eq3A_135, %eq3A_136 : vector<4x64x128xi1>
        %xor3A = arith.xori %eq3A_137, %or3A : vector<4x64x128xi1>
        %select_n3A_138 = arith.select %xor3A, %select_n3A, %get3A_112 : vector<4x64x128xi1>, vector<4x64x128xf32>
        %swap3A_139 = arith.constant 0 : index
        %swap3A_140 = arith.constant 0 : index
        %swap3A_141 = arith.constant 0 : index
        %swap3A_142 = vector.load %arg3[%swap3A_139, %swap3A_140, %swap3A_141] : memref<4x64x128xf32, #tpu.memory_space<vmem>>, vector<4x64x128xf32>
        tpu.vector_store %arg3[%swap3A_139, %swap3A_140, %swap3A_141], %select_n3A_138 {strides = array<i32>} : memref<4x64x128xf32, #tpu.memory_space<vmem>>, vector<4x64x128xf32>,
        %select_n3A_143 = arith.select %xor3A, %select_n3A_132, %get3A_116 : vector<4x64x128xi1>, vector<4x64x128xi32>
        %swap3A_144 = arith.constant 0 : index
        %swap3A_145 = arith.constant 0 : index
        %swap3A_146 = arith.constant 0 : index
        %swap3A_147 = vector.load %arg4[%swap3A_144, %swap3A_145, %swap3A_146] : memref<4x64x128xi32, #tpu.memory_space<vmem>>, vector<4x64x128xi32>
        tpu.vector_store %arg4[%swap3A_144, %swap3A_145, %swap3A_146], %select_n3A_143 {strides = array<i32>} : memref<4x64x128xi32, #tpu.memory_space<vmem>>, vector<4x64x128xi32>,
      }
      %while3A_97 = arith.constant 1 : i32
      scf.for %while3A_103 = %while3A_95 to %while3A_91 step %while3A_97  : i32 {
        %sub3A_104 = arith.constant 1 : i32
        %sub3A_105 = arith.subi %scan3A_87, %sub3A_104 : i32
        %sub3A_106 = arith.subi %sub3A_105, %while3A_103 : i32
        %shift_left3A = arith.shli %scan3A_18, %sub3A_106 : i32
        %shift_left3A_107 = arith.shli %scan3A_18, %scan3A_87 : i32
        %shift_right_logical3A = arith.constant 7 : i32
        %shift_right_logical3A_108 = arith.shrui %shift_left3A, %shift_right_logical3A : i32
        %get3A_109 = arith.constant 0 : index
        %get3A_110 = arith.constant 0 : index
        %get3A_111 = arith.constant 0 : index
        %get3A_112 = vector.load %arg3[%get3A_109, %get3A_110, %get3A_111] : memref<4x64x128xf32, #tpu.memory_space<vmem>>, vector<4x64x128xf32>
        %get3A_113 = arith.constant 0 : index
        %get3A_114 = arith.constant 0 : index
        %get3A_115 = arith.constant 0 : index
        %get3A_116 = vector.load %arg4[%get3A_113, %get3A_114, %get3A_115] : memref<4x64x128xi32, #tpu.memory_space<vmem>>, vector<4x64x128xi32>
        %and3A = vector.broadcast %shift_left3A : i32 to vector<4x64x128xi32>
        %and3A_117 = arith.andi %add3A, %and3A : vector<4x64x128xi32>
        %eq3A = arith.constant 0 : i32
        %eq3A_118 = vector.broadcast %eq3A : i32 to vector<4x64x128xi32>
        %eq3A_119 = arith.cmpi eq, %and3A_117, %eq3A_118 : vector<4x64x128xi32>
        %and3A_120 = vector.broadcast %shift_left3A_107 : i32 to vector<4x64x128xi32>
        %and3A_121 = arith.andi %add3A, %and3A_120 : vector<4x64x128xi32>
        %eq3A_122 = arith.constant 0 : i32
        %eq3A_123 = vector.broadcast %eq3A_122 : i32 to vector<4x64x128xi32>
        %eq3A_124 = arith.cmpi eq, %and3A_121, %eq3A_123 : vector<4x64x128xi32>
        %sub3A_125 = arith.constant 64 : i32
        %sub3A_126 = arith.subi %sub3A_125, %shift_right_logical3A_108 : i32
        %roll3A = tpu.dynamic_rotate %get3A_112 by %sub3A_126 dim 1 : vector<4x64x128xf32>, i32 -> vector<4x64x128xf32>
        %roll3A_127 = tpu.dynamic_rotate %get3A_112 by %shift_right_logical3A_108 dim 1 : vector<4x64x128xf32>, i32 -> vector<4x64x128xf32>
        %select_n3A = arith.select %eq3A_119, %roll3A, %roll3A_127 : vector<4x64x128xi1>, vector<4x64x128xf32>
        %sub3A_128 = arith.constant 64 : i32
        %sub3A_129 = arith.subi %sub3A_128, %shift_right_logical3A_108 : i32
        %roll3A_130 = tpu.dynamic_rotate %get3A_116 by %sub3A_129 dim 1 : vector<4x64x128xi32>, i32 -> vector<4x64x128xi32>
        %roll3A_131 = tpu.dynamic_rotate %get3A_116 by %shift_right_logical3A_108 dim 1 : vector<4x64x128xi32>, i32 -> vector<4x64x128xi32>
        %select_n3A_132 = arith.select %eq3A_119, %roll3A_130, %roll3A_131 : vector<4x64x128xi1>, vector<4x64x128xi32>
        %gt3A = arith.cmpf ogt, %get3A_112, %select_n3A : vector<4x64x128xf32>
        %eq3A_133 = arith.cmpf oeq, %get3A_112, %select_n3A : vector<4x64x128xf32>
        %lt3A = arith.cmpi slt, %get3A_116, %select_n3A_132 : vector<4x64x128xi32>
        %and3A_134 = arith.andi %eq3A_133, %lt3A : vector<4x64x128xi1>
        %or3A = arith.ori %gt3A, %and3A_134 : vector<4x64x128xi1>
        %eq3A_135 = arith.xori %eq3A_119, %eq3A_124 : vector<4x64x128xi1>
        %eq3A_136 = arith.constant dense<true> : vector<4x64x128xi1>
        %eq3A_137 = arith.xori %eq3A_135, %eq3A_136 : vector<4x64x128xi1>
        %xor3A = arith.xori %eq3A_137, %or3A : vector<4x64x128xi1>
        %select_n3A_138 = arith.select %xor3A, %select_n3A, %get3A_112 : vector<4x64x128xi1>, vector<4x64x128xf32>
        %swap3A_139 = arith.constant 0 : index
        %swap3A_140 = arith.constant 0 : index
        %swap3A_141 = arith.constant 0 : index
        %swap3A_142 = vector.load %arg3[%swap3A_139, %swap3A_140, %swap3A_141] : memref<4x64x128xf32, #tpu.memory_space<vmem>>, vector<4x64x128xf32>
        tpu.vector_store %arg3[%swap3A_139, %swap3A_140, %swap3A_141], %select_n3A_138 {strides = array<i32>} : memref<4x64x128xf32, #tpu.memory_space<vmem>>, vector<4x64x128xf32>,
        %select_n3A_143 = arith.select %xor3A, %select_n3A_132, %get3A_116 : vector<4x64x128xi1>, vector<4x64x128xi32>
        %swap3A_144 = arith.constant 0 : index
        %swap3A_145 = arith.constant 0 : index
        %swap3A_146 = arith.constant 0 : index
        %swap3A_147 = vector.load %arg4[%swap3A_144, %swap3A_145, %swap3A_146] : memref<4x64x128xi32, #tpu.memory_space<vmem>>, vector<4x64x128xi32>
        tpu.vector_store %arg4[%swap3A_144, %swap3A_145, %swap3A_146], %select_n3A_143 {strides = array<i32>} : memref<4x64x128xi32, #tpu.memory_space<vmem>>, vector<4x64x128xi32>,
      }
      %scan3A_98 = arith.constant 0 : i32
      %scan3A_99 = arith.constant 7 : i32
      %scan3A_100 = arith.addi %scan3A_98, %scan3A_99 : i32
      %scan3A_101 = arith.constant 1 : i32
      scf.for %scan3A_103 = %scan3A_98 to %scan3A_100 step %scan3A_101  : i32 {
        %sub3A_104 = arith.constant 6 : i32
        %sub3A_105 = arith.subi %sub3A_104, %scan3A_103 : i32
        %shift_left3A = arith.shli %scan3A_18, %sub3A_105 : i32
        %shift_left3A_106 = arith.shli %scan3A_18, %scan3A_87 : i32
        %get3A_107 = arith.constant 0 : index
        %get3A_108 = arith.constant 0 : index
        %get3A_109 = arith.constant 0 : index
        %get3A_110 = vector.load %arg3[%get3A_107, %get3A_108, %get3A_109] : memref<4x64x128xf32, #tpu.memory_space<vmem>>, vector<4x64x128xf32>
        %get3A_111 = arith.constant 0 : index
        %get3A_112 = arith.constant 0 : index
        %get3A_113 = arith.constant 0 : index
        %get3A_114 = vector.load %arg4[%get3A_111, %get3A_112, %get3A_113] : memref<4x64x128xi32, #tpu.memory_space<vmem>>, vector<4x64x128xi32>
        %and3A = vector.broadcast %shift_left3A : i32 to vector<4x64x128xi32>
        %and3A_115 = arith.andi %add3A, %and3A : vector<4x64x128xi32>
        %eq3A = arith.constant 0 : i32
        %eq3A_116 = vector.broadcast %eq3A : i32 to vector<4x64x128xi32>
        %eq3A_117 = arith.cmpi eq, %and3A_115, %eq3A_116 : vector<4x64x128xi32>
        %and3A_118 = vector.broadcast %shift_left3A_106 : i32 to vector<4x64x128xi32>
        %and3A_119 = arith.andi %add3A, %and3A_118 : vector<4x64x128xi32>
        %eq3A_120 = arith.constant 0 : i32
        %eq3A_121 = vector.broadcast %eq3A_120 : i32 to vector<4x64x128xi32>
        %eq3A_122 = arith.cmpi eq, %and3A_119, %eq3A_121 : vector<4x64x128xi32>
        %sub3A_123 = arith.constant 128 : i32
        %sub3A_124 = arith.subi %sub3A_123, %shift_left3A : i32
        %roll3A = tpu.dynamic_rotate %get3A_110 by %sub3A_124 dim 2 : vector<4x64x128xf32>, i32 -> vector<4x64x128xf32>
        %roll3A_125 = tpu.dynamic_rotate %get3A_110 by %shift_left3A dim 2 : vector<4x64x128xf32>, i32 -> vector<4x64x128xf32>
        %select_n3A = arith.select %eq3A_117, %roll3A, %roll3A_125 : vector<4x64x128xi1>, vector<4x64x128xf32>
        %sub3A_126 = arith.constant 128 : i32
        %sub3A_127 = arith.subi %sub3A_126, %shift_left3A : i32
        %roll3A_128 = tpu.dynamic_rotate %get3A_114 by %sub3A_127 dim 2 : vector<4x64x128xi32>, i32 -> vector<4x64x128xi32>
        %roll3A_129 = tpu.dynamic_rotate %get3A_114 by %shift_left3A dim 2 : vector<4x64x128xi32>, i32 -> vector<4x64x128xi32>
        %select_n3A_130 = arith.select %eq3A_117, %roll3A_128, %roll3A_129 : vector<4x64x128xi1>, vector<4x64x128xi32>
        %gt3A = arith.cmpf ogt, %get3A_110, %select_n3A : vector<4x64x128xf32>
        %eq3A_131 = arith.cmpf oeq, %get3A_110, %select_n3A : vector<4x64x128xf32>
        %lt3A = arith.cmpi slt, %get3A_114, %select_n3A_130 : vector<4x64x128xi32>
        %and3A_132 = arith.andi %eq3A_131, %lt3A : vector<4x64x128xi1>
        %or3A = arith.ori %gt3A, %and3A_132 : vector<4x64x128xi1>
        %eq3A_133 = arith.xori %eq3A_117, %eq3A_122 : vector<4x64x128xi1>
        %eq3A_134 = arith.constant dense<true> : vector<4x64x128xi1>
        %eq3A_135 = arith.xori %eq3A_133, %eq3A_134 : vector<4x64x128xi1>
        %xor3A = arith.xori %eq3A_135, %or3A : vector<4x64x128xi1>
        %select_n3A_136 = arith.select %xor3A, %select_n3A, %get3A_110 : vector<4x64x128xi1>, vector<4x64x128xf32>
        %swap3A_137 = arith.constant 0 : index
        %swap3A_138 = arith.constant 0 : index
        %swap3A_139 = arith.constant 0 : index
        %swap3A_140 = vector.load %arg3[%swap3A_137, %swap3A_138, %swap3A_139] : memref<4x64x128xf32, #tpu.memory_space<vmem>>, vector<4x64x128xf32>
        tpu.vector_store %arg3[%swap3A_137, %swap3A_138, %swap3A_139], %select_n3A_136 {strides = array<i32>} : memref<4x64x128xf32, #tpu.memory_space<vmem>>, vector<4x64x128xf32>,
        %select_n3A_141 = arith.select %xor3A, %select_n3A_130, %get3A_114 : vector<4x64x128xi1>, vector<4x64x128xi32>
        %swap3A_142 = arith.constant 0 : index
        %swap3A_143 = arith.constant 0 : index
        %swap3A_144 = arith.constant 0 : index
        %swap3A_145 = vector.load %arg4[%swap3A_142, %swap3A_143, %swap3A_144] : memref<4x64x128xi32, #tpu.memory_space<vmem>>, vector<4x64x128xi32>
        tpu.vector_store %arg4[%swap3A_142, %swap3A_143, %swap3A_144], %select_n3A_141 {strides = array<i32>} : memref<4x64x128xi32, #tpu.memory_space<vmem>>, vector<4x64x128xi32>,
      }
      %scan3A_102 = arith.constant 7 : i32
    }
    %scan3A_23 = arith.constant 6 : i32
    %get3A_24 = arith.constant 0 : index
    %get3A_25 = arith.constant 0 : index
    %get3A_26 = arith.constant 0 : index
    %get3A_27 = vector.load %arg4[%get3A_24, %get3A_25, %get3A_26] : memref<4x64x128xi32, #tpu.memory_space<vmem>>, vector<4x32x128xi32>
    %swap3A_28 = arith.constant 0 : index
    %swap3A_29 = arith.constant 0 : index
    %swap3A_30 = arith.constant 0 : index
    %swap3A_31 = vector.load %arg5[%swap3A_28, %swap3A_29, %swap3A_30] : memref<4x32x128xi32, #tpu.memory_space<vmem>>, vector<4x32x128xi32>
    tpu.vector_store %arg5[%swap3A_28, %swap3A_29, %swap3A_30], %get3A_27 {strides = array<i32>} : memref<4x32x128xi32, #tpu.memory_space<vmem>>, vector<4x32x128xi32>,
    %get3A_32 = arith.constant 0 : index
    %get3A_33 = arith.constant 0 : index
    %get3A_34 = arith.constant 0 : index
    %get3A_35 = vector.load %arg3[%get3A_32, %get3A_33, %get3A_34] : memref<4x64x128xf32, #tpu.memory_space<vmem>>, vector<4x32x128xf32>
    %jit3A = arith.constant 0.000000e+00 : f32
    %jit3A_36 = arith.constant 1.000000e+00 : f32
    %max3A = vector.broadcast %jit3A : f32 to vector<4x32x128xf32>
    %max3A_37 = arith.maximumf %max3A, %get3A_35 : vector<4x32x128xf32>
    %min3A = vector.broadcast %jit3A_36 : f32 to vector<4x32x128xf32>
    %min3A_38 = arith.minimumf %min3A, %max3A_37 : vector<4x32x128xf32>
    %get3A_39 = arith.constant 0 : index
    %get3A_40 = arith.constant 32 : index
    %get3A_41 = arith.constant 0 : index
    %get3A_42 = vector.load %arg3[%get3A_39, %get3A_40, %get3A_41] : memref<4x64x128xf32, #tpu.memory_space<vmem>>, vector<4x32x128xf32>
    %jit3A_43 = arith.constant 0.000000e+00 : f32
    %jit3A_44 = arith.constant 1.000000e+00 : f32
    %max3A_45 = vector.broadcast %jit3A_43 : f32 to vector<4x32x128xf32>
    %max3A_46 = arith.maximumf %max3A_45, %get3A_42 : vector<4x32x128xf32>
    %min3A_47 = vector.broadcast %jit3A_44 : f32 to vector<4x32x128xf32>
    %min3A_48 = arith.minimumf %min3A_47, %max3A_46 : vector<4x32x128xf32>
    %sub3A = arith.subf %min3A_38, %min3A_48 : vector<4x32x128xf32>
    %swap3A_49 = arith.constant 0 : index
    %swap3A_50 = arith.constant 0 : index
    %swap3A_51 = arith.constant 0 : index
    %swap3A_52 = vector.load %arg6[%swap3A_49, %swap3A_50, %swap3A_51] : memref<4x32x128xf32, #tpu.memory_space<vmem>>, vector<4x32x128xf32>
    tpu.vector_store %arg6[%swap3A_49, %swap3A_50, %swap3A_51], %sub3A {strides = array<i32>} : memref<4x32x128xf32, #tpu.memory_space<vmem>>, vector<4x32x128xf32>,
    %iota3A_53 = tpu.iota {dimensions = array<i32: 1>} : vector<4x32x128xi32>
    %mul3A_54 = arith.constant 128 : i32
    %mul3A_55 = vector.broadcast %mul3A_54 : i32 to vector<4x32x128xi32>
    %mul3A_56 = arith.muli %iota3A_53, %mul3A_55 : vector<4x32x128xi32>
    %iota3A_57 = tpu.iota {dimensions = array<i32: 2>} : vector<4x32x128xi32>
    %add3A_58 = arith.addi %mul3A_56, %iota3A_57 : vector<4x32x128xi32>
    %scan3A_59 = arith.constant 1 : i32
    %scan3A_60 = arith.constant 1 : i32
    %scan3A_61 = arith.constant 7 : i32
    %scan3A_62 = arith.addi %scan3A_60, %scan3A_61 : i32
    %scan3A_63 = arith.constant 1 : i32
    scf.for %scan3A_87 = %scan3A_60 to %scan3A_62 step %scan3A_63  : i32 {
      %while3A = arith.constant 0 : i32
      %while3A_88 = arith.subi %scan3A_87, %while3A : i32
      %while3A_89 = arith.addi %while3A, %while3A_88 : i32
      %while3A_90 = arith.constant 1 : i32
      %while3A_91 = arith.divsi %while3A_88, %while3A_90 : i32
      %while3A_92 = arith.muli %while3A_91, %while3A_90 : i32
      %while3A_93 = arith.addi %while3A, %while3A_92 : i32
      %while3A_94 = arith.constant 1 : i32
      scf.for %while3A_96 = %while3A to %while3A_93 step %while3A_94  : i32 {
        %sub3A_97 = arith.constant 1 : i32
        %sub3A_98 = arith.subi %scan3A_87, %sub3A_97 : i32
        %sub3A_99 = arith.subi %sub3A_98, %while3A_96 : i32
        %shift_left3A = arith.shli %scan3A_59, %sub3A_99 : i32
        %shift_left3A_100 = arith.shli %scan3A_59, %scan3A_87 : i32
        %get3A_101 = arith.constant 0 : index
        %get3A_102 = arith.constant 0 : index
        %get3A_103 = arith.constant 0 : index
        %get3A_104 = vector.load %arg5[%get3A_101, %get3A_102, %get3A_103] : memref<4x32x128xi32, #tpu.memory_space<vmem>>, vector<4x32x128xi32>
        %get3A_105 = arith.constant 0 : index
        %get3A_106 = arith.constant 0 : index
        %get3A_107 = arith.constant 0 : index
        %get3A_108 = vector.load %arg6[%get3A_105, %get3A_106, %get3A_107] : memref<4x32x128xf32, #tpu.memory_space<vmem>>, vector<4x32x128xf32>
        %and3A = vector.broadcast %shift_left3A : i32 to vector<4x32x128xi32>
        %and3A_109 = arith.andi %add3A_58, %and3A : vector<4x32x128xi32>
        %eq3A = arith.constant 0 : i32
        %eq3A_110 = vector.broadcast %eq3A : i32 to vector<4x32x128xi32>
        %eq3A_111 = arith.cmpi eq, %and3A_109, %eq3A_110 : vector<4x32x128xi32>
        %and3A_112 = vector.broadcast %shift_left3A_100 : i32 to vector<4x32x128xi32>
        %and3A_113 = arith.andi %add3A_58, %and3A_112 : vector<4x32x128xi32>
        %eq3A_114 = arith.constant 0 : i32
        %eq3A_115 = vector.broadcast %eq3A_114 : i32 to vector<4x32x128xi32>
        %eq3A_116 = arith.cmpi eq, %and3A_113, %eq3A_115 : vector<4x32x128xi32>
        %sub3A_117 = arith.constant 128 : i32
        %sub3A_118 = arith.subi %sub3A_117, %shift_left3A : i32
        %roll3A = tpu.dynamic_rotate %get3A_104 by %sub3A_118 dim 2 : vector<4x32x128xi32>, i32 -> vector<4x32x128xi32>
        %roll3A_119 = tpu.dynamic_rotate %get3A_104 by %shift_left3A dim 2 : vector<4x32x128xi32>, i32 -> vector<4x32x128xi32>
        %select_n3A = arith.select %eq3A_111, %roll3A, %roll3A_119 : vector<4x32x128xi1>, vector<4x32x128xi32>
        %sub3A_120 = arith.constant 128 : i32
        %sub3A_121 = arith.subi %sub3A_120, %shift_left3A : i32
        %roll3A_122 = tpu.dynamic_rotate %get3A_108 by %sub3A_121 dim 2 : vector<4x32x128xf32>, i32 -> vector<4x32x128xf32>
        %roll3A_123 = tpu.dynamic_rotate %get3A_108 by %shift_left3A dim 2 : vector<4x32x128xf32>, i32 -> vector<4x32x128xf32>
        %select_n3A_124 = arith.select %eq3A_111, %roll3A_122, %roll3A_123 : vector<4x32x128xi1>, vector<4x32x128xf32>
        %lt3A = arith.cmpi slt, %get3A_104, %select_n3A : vector<4x32x128xi32>
        %eq3A_125 = arith.xori %eq3A_111, %eq3A_116 : vector<4x32x128xi1>
        %eq3A_126 = arith.constant dense<true> : vector<4x32x128xi1>
        %eq3A_127 = arith.xori %eq3A_125, %eq3A_126 : vector<4x32x128xi1>
        %xor3A = arith.xori %eq3A_127, %lt3A : vector<4x32x128xi1>
        %select_n3A_128 = arith.select %xor3A, %select_n3A, %get3A_104 : vector<4x32x128xi1>, vector<4x32x128xi32>
        %swap3A_129 = arith.constant 0 : index
        %swap3A_130 = arith.constant 0 : index
        %swap3A_131 = arith.constant 0 : index
        %swap3A_132 = vector.load %arg5[%swap3A_129, %swap3A_130, %swap3A_131] : memref<4x32x128xi32, #tpu.memory_space<vmem>>, vector<4x32x128xi32>
        tpu.vector_store %arg5[%swap3A_129, %swap3A_130, %swap3A_131], %select_n3A_128 {strides = array<i32>} : memref<4x32x128xi32, #tpu.memory_space<vmem>>, vector<4x32x128xi32>,
        %select_n3A_133 = arith.select %xor3A, %select_n3A_124, %get3A_108 : vector<4x32x128xi1>, vector<4x32x128xf32>
        %swap3A_134 = arith.constant 0 : index
        %swap3A_135 = arith.constant 0 : index
        %swap3A_136 = arith.constant 0 : index
        %swap3A_137 = vector.load %arg6[%swap3A_134, %swap3A_135, %swap3A_136] : memref<4x32x128xf32, #tpu.memory_space<vmem>>, vector<4x32x128xf32>
        tpu.vector_store %arg6[%swap3A_134, %swap3A_135, %swap3A_136], %select_n3A_133 {strides = array<i32>} : memref<4x32x128xf32, #tpu.memory_space<vmem>>, vector<4x32x128xf32>,
      }
      %while3A_95 = arith.constant 1 : i32
      scf.for %while3A_96 = %while3A_93 to %while3A_89 step %while3A_95  : i32 {
        %sub3A_97 = arith.constant 1 : i32
        %sub3A_98 = arith.subi %scan3A_87, %sub3A_97 : i32
        %sub3A_99 = arith.subi %sub3A_98, %while3A_96 : i32
        %shift_left3A = arith.shli %scan3A_59, %sub3A_99 : i32
        %shift_left3A_100 = arith.shli %scan3A_59, %scan3A_87 : i32
        %get3A_101 = arith.constant 0 : index
        %get3A_102 = arith.constant 0 : index
        %get3A_103 = arith.constant 0 : index
        %get3A_104 = vector.load %arg5[%get3A_101, %get3A_102, %get3A_103] : memref<4x32x128xi32, #tpu.memory_space<vmem>>, vector<4x32x128xi32>
        %get3A_105 = arith.constant 0 : index
        %get3A_106 = arith.constant 0 : index
        %get3A_107 = arith.constant 0 : index
        %get3A_108 = vector.load %arg6[%get3A_105, %get3A_106, %get3A_107] : memref<4x32x128xf32, #tpu.memory_space<vmem>>, vector<4x32x128xf32>
        %and3A = vector.broadcast %shift_left3A : i32 to vector<4x32x128xi32>
        %and3A_109 = arith.andi %add3A_58, %and3A : vector<4x32x128xi32>
        %eq3A = arith.constant 0 : i32
        %eq3A_110 = vector.broadcast %eq3A : i32 to vector<4x32x128xi32>
        %eq3A_111 = arith.cmpi eq, %and3A_109, %eq3A_110 : vector<4x32x128xi32>
        %and3A_112 = vector.broadcast %shift_left3A_100 : i32 to vector<4x32x128xi32>
        %and3A_113 = arith.andi %add3A_58, %and3A_112 : vector<4x32x128xi32>
        %eq3A_114 = arith.constant 0 : i32
        %eq3A_115 = vector.broadcast %eq3A_114 : i32 to vector<4x32x128xi32>
        %eq3A_116 = arith.cmpi eq, %and3A_113, %eq3A_115 : vector<4x32x128xi32>
        %sub3A_117 = arith.constant 128 : i32
        %sub3A_118 = arith.subi %sub3A_117, %shift_left3A : i32
        %roll3A = tpu.dynamic_rotate %get3A_104 by %sub3A_118 dim 2 : vector<4x32x128xi32>, i32 -> vector<4x32x128xi32>
        %roll3A_119 = tpu.dynamic_rotate %get3A_104 by %shift_left3A dim 2 : vector<4x32x128xi32>, i32 -> vector<4x32x128xi32>
        %select_n3A = arith.select %eq3A_111, %roll3A, %roll3A_119 : vector<4x32x128xi1>, vector<4x32x128xi32>
        %sub3A_120 = arith.constant 128 : i32
        %sub3A_121 = arith.subi %sub3A_120, %shift_left3A : i32
        %roll3A_122 = tpu.dynamic_rotate %get3A_108 by %sub3A_121 dim 2 : vector<4x32x128xf32>, i32 -> vector<4x32x128xf32>
        %roll3A_123 = tpu.dynamic_rotate %get3A_108 by %shift_left3A dim 2 : vector<4x32x128xf32>, i32 -> vector<4x32x128xf32>
        %select_n3A_124 = arith.select %eq3A_111, %roll3A_122, %roll3A_123 : vector<4x32x128xi1>, vector<4x32x128xf32>
        %lt3A = arith.cmpi slt, %get3A_104, %select_n3A : vector<4x32x128xi32>
        %eq3A_125 = arith.xori %eq3A_111, %eq3A_116 : vector<4x32x128xi1>
        %eq3A_126 = arith.constant dense<true> : vector<4x32x128xi1>
        %eq3A_127 = arith.xori %eq3A_125, %eq3A_126 : vector<4x32x128xi1>
        %xor3A = arith.xori %eq3A_127, %lt3A : vector<4x32x128xi1>
        %select_n3A_128 = arith.select %xor3A, %select_n3A, %get3A_104 : vector<4x32x128xi1>, vector<4x32x128xi32>
        %swap3A_129 = arith.constant 0 : index
        %swap3A_130 = arith.constant 0 : index
        %swap3A_131 = arith.constant 0 : index
        %swap3A_132 = vector.load %arg5[%swap3A_129, %swap3A_130, %swap3A_131] : memref<4x32x128xi32, #tpu.memory_space<vmem>>, vector<4x32x128xi32>
        tpu.vector_store %arg5[%swap3A_129, %swap3A_130, %swap3A_131], %select_n3A_128 {strides = array<i32>} : memref<4x32x128xi32, #tpu.memory_space<vmem>>, vector<4x32x128xi32>,
        %select_n3A_133 = arith.select %xor3A, %select_n3A_124, %get3A_108 : vector<4x32x128xi1>, vector<4x32x128xf32>
        %swap3A_134 = arith.constant 0 : index
        %swap3A_135 = arith.constant 0 : index
        %swap3A_136 = arith.constant 0 : index
        %swap3A_137 = vector.load %arg6[%swap3A_134, %swap3A_135, %swap3A_136] : memref<4x32x128xf32, #tpu.memory_space<vmem>>, vector<4x32x128xf32>
        tpu.vector_store %arg6[%swap3A_134, %swap3A_135, %swap3A_136], %select_n3A_133 {strides = array<i32>} : memref<4x32x128xf32, #tpu.memory_space<vmem>>, vector<4x32x128xf32>,
      }
    }
    %scan3A_64 = arith.constant 7 : i32
    %scan3A_65 = arith.constant 1 : i32
    %scan3A_66 = arith.constant 8 : i32
    %scan3A_67 = arith.constant 5 : i32
    %scan3A_68 = arith.addi %scan3A_66, %scan3A_67 : i32
    %scan3A_69 = arith.constant 1 : i32
    scf.for %scan3A_87 = %scan3A_66 to %scan3A_68 step %scan3A_69  : i32 {
      %sub3A_88 = arith.constant 7 : i32
      %sub3A_89 = arith.subi %scan3A_87, %sub3A_88 : i32
      %while3A = arith.constant 0 : i32
      %while3A_90 = arith.subi %sub3A_89, %while3A : i32
      %while3A_91 = arith.addi %while3A, %while3A_90 : i32
      %while3A_92 = arith.constant 1 : i32
      %while3A_93 = arith.divsi %while3A_90, %while3A_92 : i32
      %while3A_94 = arith.muli %while3A_93, %while3A_92 : i32
      %while3A_95 = arith.addi %while3A, %while3A_94 : i32
      %while3A_96 = arith.constant 1 : i32
      scf.for %while3A_103 = %while3A to %while3A_95 step %while3A_96  : i32 {
        %sub3A_104 = arith.constant 1 : i32
        %sub3A_105 = arith.subi %scan3A_87, %sub3A_104 : i32
        %sub3A_106 = arith.subi %sub3A_105, %while3A_103 : i32
        %shift_left3A = arith.shli %scan3A_65, %sub3A_106 : i32
        %shift_left3A_107 = arith.shli %scan3A_65, %scan3A_87 : i32
        %shift_right_logical3A = arith.constant 7 : i32
        %shift_right_logical3A_108 = arith.shrui %shift_left3A, %shift_right_logical3A : i32
        %get3A_109 = arith.constant 0 : index
        %get3A_110 = arith.constant 0 : index
        %get3A_111 = arith.constant 0 : index
        %get3A_112 = vector.load %arg5[%get3A_109, %get3A_110, %get3A_111] : memref<4x32x128xi32, #tpu.memory_space<vmem>>, vector<4x32x128xi32>
        %get3A_113 = arith.constant 0 : index
        %get3A_114 = arith.constant 0 : index
        %get3A_115 = arith.constant 0 : index
        %get3A_116 = vector.load %arg6[%get3A_113, %get3A_114, %get3A_115] : memref<4x32x128xf32, #tpu.memory_space<vmem>>, vector<4x32x128xf32>
        %and3A = vector.broadcast %shift_left3A : i32 to vector<4x32x128xi32>
        %and3A_117 = arith.andi %add3A_58, %and3A : vector<4x32x128xi32>
        %eq3A = arith.constant 0 : i32
        %eq3A_118 = vector.broadcast %eq3A : i32 to vector<4x32x128xi32>
        %eq3A_119 = arith.cmpi eq, %and3A_117, %eq3A_118 : vector<4x32x128xi32>
        %and3A_120 = vector.broadcast %shift_left3A_107 : i32 to vector<4x32x128xi32>
        %and3A_121 = arith.andi %add3A_58, %and3A_120 : vector<4x32x128xi32>
        %eq3A_122 = arith.constant 0 : i32
        %eq3A_123 = vector.broadcast %eq3A_122 : i32 to vector<4x32x128xi32>
        %eq3A_124 = arith.cmpi eq, %and3A_121, %eq3A_123 : vector<4x32x128xi32>
        %sub3A_125 = arith.constant 32 : i32
        %sub3A_126 = arith.subi %sub3A_125, %shift_right_logical3A_108 : i32
        %roll3A = tpu.dynamic_rotate %get3A_112 by %sub3A_126 dim 1 : vector<4x32x128xi32>, i32 -> vector<4x32x128xi32>
        %roll3A_127 = tpu.dynamic_rotate %get3A_112 by %shift_right_logical3A_108 dim 1 : vector<4x32x128xi32>, i32 -> vector<4x32x128xi32>
        %select_n3A = arith.select %eq3A_119, %roll3A, %roll3A_127 : vector<4x32x128xi1>, vector<4x32x128xi32>
        %sub3A_128 = arith.constant 32 : i32
        %sub3A_129 = arith.subi %sub3A_128, %shift_right_logical3A_108 : i32
        %roll3A_130 = tpu.dynamic_rotate %get3A_116 by %sub3A_129 dim 1 : vector<4x32x128xf32>, i32 -> vector<4x32x128xf32>
        %roll3A_131 = tpu.dynamic_rotate %get3A_116 by %shift_right_logical3A_108 dim 1 : vector<4x32x128xf32>, i32 -> vector<4x32x128xf32>
        %select_n3A_132 = arith.select %eq3A_119, %roll3A_130, %roll3A_131 : vector<4x32x128xi1>, vector<4x32x128xf32>
        %lt3A = arith.cmpi slt, %get3A_112, %select_n3A : vector<4x32x128xi32>
        %eq3A_133 = arith.xori %eq3A_119, %eq3A_124 : vector<4x32x128xi1>
        %eq3A_134 = arith.constant dense<true> : vector<4x32x128xi1>
        %eq3A_135 = arith.xori %eq3A_133, %eq3A_134 : vector<4x32x128xi1>
        %xor3A = arith.xori %eq3A_135, %lt3A : vector<4x32x128xi1>
        %select_n3A_136 = arith.select %xor3A, %select_n3A, %get3A_112 : vector<4x32x128xi1>, vector<4x32x128xi32>
        %swap3A_137 = arith.constant 0 : index
        %swap3A_138 = arith.constant 0 : index
        %swap3A_139 = arith.constant 0 : index
        %swap3A_140 = vector.load %arg5[%swap3A_137, %swap3A_138, %swap3A_139] : memref<4x32x128xi32, #tpu.memory_space<vmem>>, vector<4x32x128xi32>
        tpu.vector_store %arg5[%swap3A_137, %swap3A_138, %swap3A_139], %select_n3A_136 {strides = array<i32>} : memref<4x32x128xi32, #tpu.memory_space<vmem>>, vector<4x32x128xi32>,
        %select_n3A_141 = arith.select %xor3A, %select_n3A_132, %get3A_116 : vector<4x32x128xi1>, vector<4x32x128xf32>
        %swap3A_142 = arith.constant 0 : index
        %swap3A_143 = arith.constant 0 : index
        %swap3A_144 = arith.constant 0 : index
        %swap3A_145 = vector.load %arg6[%swap3A_142, %swap3A_143, %swap3A_144] : memref<4x32x128xf32, #tpu.memory_space<vmem>>, vector<4x32x128xf32>
        tpu.vector_store %arg6[%swap3A_142, %swap3A_143, %swap3A_144], %select_n3A_141 {strides = array<i32>} : memref<4x32x128xf32, #tpu.memory_space<vmem>>, vector<4x32x128xf32>,
      }
      %while3A_97 = arith.constant 1 : i32
      scf.for %while3A_103 = %while3A_95 to %while3A_91 step %while3A_97  : i32 {
        %sub3A_104 = arith.constant 1 : i32
        %sub3A_105 = arith.subi %scan3A_87, %sub3A_104 : i32
        %sub3A_106 = arith.subi %sub3A_105, %while3A_103 : i32
        %shift_left3A = arith.shli %scan3A_65, %sub3A_106 : i32
        %shift_left3A_107 = arith.shli %scan3A_65, %scan3A_87 : i32
        %shift_right_logical3A = arith.constant 7 : i32
        %shift_right_logical3A_108 = arith.shrui %shift_left3A, %shift_right_logical3A : i32
        %get3A_109 = arith.constant 0 : index
        %get3A_110 = arith.constant 0 : index
        %get3A_111 = arith.constant 0 : index
        %get3A_112 = vector.load %arg5[%get3A_109, %get3A_110, %get3A_111] : memref<4x32x128xi32, #tpu.memory_space<vmem>>, vector<4x32x128xi32>
        %get3A_113 = arith.constant 0 : index
        %get3A_114 = arith.constant 0 : index
        %get3A_115 = arith.constant 0 : index
        %get3A_116 = vector.load %arg6[%get3A_113, %get3A_114, %get3A_115] : memref<4x32x128xf32, #tpu.memory_space<vmem>>, vector<4x32x128xf32>
        %and3A = vector.broadcast %shift_left3A : i32 to vector<4x32x128xi32>
        %and3A_117 = arith.andi %add3A_58, %and3A : vector<4x32x128xi32>
        %eq3A = arith.constant 0 : i32
        %eq3A_118 = vector.broadcast %eq3A : i32 to vector<4x32x128xi32>
        %eq3A_119 = arith.cmpi eq, %and3A_117, %eq3A_118 : vector<4x32x128xi32>
        %and3A_120 = vector.broadcast %shift_left3A_107 : i32 to vector<4x32x128xi32>
        %and3A_121 = arith.andi %add3A_58, %and3A_120 : vector<4x32x128xi32>
        %eq3A_122 = arith.constant 0 : i32
        %eq3A_123 = vector.broadcast %eq3A_122 : i32 to vector<4x32x128xi32>
        %eq3A_124 = arith.cmpi eq, %and3A_121, %eq3A_123 : vector<4x32x128xi32>
        %sub3A_125 = arith.constant 32 : i32
        %sub3A_126 = arith.subi %sub3A_125, %shift_right_logical3A_108 : i32
        %roll3A = tpu.dynamic_rotate %get3A_112 by %sub3A_126 dim 1 : vector<4x32x128xi32>, i32 -> vector<4x32x128xi32>
        %roll3A_127 = tpu.dynamic_rotate %get3A_112 by %shift_right_logical3A_108 dim 1 : vector<4x32x128xi32>, i32 -> vector<4x32x128xi32>
        %select_n3A = arith.select %eq3A_119, %roll3A, %roll3A_127 : vector<4x32x128xi1>, vector<4x32x128xi32>
        %sub3A_128 = arith.constant 32 : i32
        %sub3A_129 = arith.subi %sub3A_128, %shift_right_logical3A_108 : i32
        %roll3A_130 = tpu.dynamic_rotate %get3A_116 by %sub3A_129 dim 1 : vector<4x32x128xf32>, i32 -> vector<4x32x128xf32>
        %roll3A_131 = tpu.dynamic_rotate %get3A_116 by %shift_right_logical3A_108 dim 1 : vector<4x32x128xf32>, i32 -> vector<4x32x128xf32>
        %select_n3A_132 = arith.select %eq3A_119, %roll3A_130, %roll3A_131 : vector<4x32x128xi1>, vector<4x32x128xf32>
        %lt3A = arith.cmpi slt, %get3A_112, %select_n3A : vector<4x32x128xi32>
        %eq3A_133 = arith.xori %eq3A_119, %eq3A_124 : vector<4x32x128xi1>
        %eq3A_134 = arith.constant dense<true> : vector<4x32x128xi1>
        %eq3A_135 = arith.xori %eq3A_133, %eq3A_134 : vector<4x32x128xi1>
        %xor3A = arith.xori %eq3A_135, %lt3A : vector<4x32x128xi1>
        %select_n3A_136 = arith.select %xor3A, %select_n3A, %get3A_112 : vector<4x32x128xi1>, vector<4x32x128xi32>
        %swap3A_137 = arith.constant 0 : index
        %swap3A_138 = arith.constant 0 : index
        %swap3A_139 = arith.constant 0 : index
        %swap3A_140 = vector.load %arg5[%swap3A_137, %swap3A_138, %swap3A_139] : memref<4x32x128xi32, #tpu.memory_space<vmem>>, vector<4x32x128xi32>
        tpu.vector_store %arg5[%swap3A_137, %swap3A_138, %swap3A_139], %select_n3A_136 {strides = array<i32>} : memref<4x32x128xi32, #tpu.memory_space<vmem>>, vector<4x32x128xi32>,
        %select_n3A_141 = arith.select %xor3A, %select_n3A_132, %get3A_116 : vector<4x32x128xi1>, vector<4x32x128xf32>
        %swap3A_142 = arith.constant 0 : index
        %swap3A_143 = arith.constant 0 : index
        %swap3A_144 = arith.constant 0 : index
        %swap3A_145 = vector.load %arg6[%swap3A_142, %swap3A_143, %swap3A_144] : memref<4x32x128xf32, #tpu.memory_space<vmem>>, vector<4x32x128xf32>
        tpu.vector_store %arg6[%swap3A_142, %swap3A_143, %swap3A_144], %select_n3A_141 {strides = array<i32>} : memref<4x32x128xf32, #tpu.memory_space<vmem>>, vector<4x32x128xf32>,
      }
      %scan3A_98 = arith.constant 0 : i32
      %scan3A_99 = arith.constant 7 : i32
      %scan3A_100 = arith.addi %scan3A_98, %scan3A_99 : i32
      %scan3A_101 = arith.constant 1 : i32
      scf.for %scan3A_103 = %scan3A_98 to %scan3A_100 step %scan3A_101  : i32 {
        %sub3A_104 = arith.constant 6 : i32
        %sub3A_105 = arith.subi %sub3A_104, %scan3A_103 : i32
        %shift_left3A = arith.shli %scan3A_65, %sub3A_105 : i32
        %shift_left3A_106 = arith.shli %scan3A_65, %scan3A_87 : i32
        %get3A_107 = arith.constant 0 : index
        %get3A_108 = arith.constant 0 : index
        %get3A_109 = arith.constant 0 : index
        %get3A_110 = vector.load %arg5[%get3A_107, %get3A_108, %get3A_109] : memref<4x32x128xi32, #tpu.memory_space<vmem>>, vector<4x32x128xi32>
        %get3A_111 = arith.constant 0 : index
        %get3A_112 = arith.constant 0 : index
        %get3A_113 = arith.constant 0 : index
        %get3A_114 = vector.load %arg6[%get3A_111, %get3A_112, %get3A_113] : memref<4x32x128xf32, #tpu.memory_space<vmem>>, vector<4x32x128xf32>
        %and3A = vector.broadcast %shift_left3A : i32 to vector<4x32x128xi32>
        %and3A_115 = arith.andi %add3A_58, %and3A : vector<4x32x128xi32>
        %eq3A = arith.constant 0 : i32
        %eq3A_116 = vector.broadcast %eq3A : i32 to vector<4x32x128xi32>
        %eq3A_117 = arith.cmpi eq, %and3A_115, %eq3A_116 : vector<4x32x128xi32>
        %and3A_118 = vector.broadcast %shift_left3A_106 : i32 to vector<4x32x128xi32>
        %and3A_119 = arith.andi %add3A_58, %and3A_118 : vector<4x32x128xi32>
        %eq3A_120 = arith.constant 0 : i32
        %eq3A_121 = vector.broadcast %eq3A_120 : i32 to vector<4x32x128xi32>
        %eq3A_122 = arith.cmpi eq, %and3A_119, %eq3A_121 : vector<4x32x128xi32>
        %sub3A_123 = arith.constant 128 : i32
        %sub3A_124 = arith.subi %sub3A_123, %shift_left3A : i32
        %roll3A = tpu.dynamic_rotate %get3A_110 by %sub3A_124 dim 2 : vector<4x32x128xi32>, i32 -> vector<4x32x128xi32>
        %roll3A_125 = tpu.dynamic_rotate %get3A_110 by %shift_left3A dim 2 : vector<4x32x128xi32>, i32 -> vector<4x32x128xi32>
        %select_n3A = arith.select %eq3A_117, %roll3A, %roll3A_125 : vector<4x32x128xi1>, vector<4x32x128xi32>
        %sub3A_126 = arith.constant 128 : i32
        %sub3A_127 = arith.subi %sub3A_126, %shift_left3A : i32
        %roll3A_128 = tpu.dynamic_rotate %get3A_114 by %sub3A_127 dim 2 : vector<4x32x128xf32>, i32 -> vector<4x32x128xf32>
        %roll3A_129 = tpu.dynamic_rotate %get3A_114 by %shift_left3A dim 2 : vector<4x32x128xf32>, i32 -> vector<4x32x128xf32>
        %select_n3A_130 = arith.select %eq3A_117, %roll3A_128, %roll3A_129 : vector<4x32x128xi1>, vector<4x32x128xf32>
        %lt3A = arith.cmpi slt, %get3A_110, %select_n3A : vector<4x32x128xi32>
        %eq3A_131 = arith.xori %eq3A_117, %eq3A_122 : vector<4x32x128xi1>
        %eq3A_132 = arith.constant dense<true> : vector<4x32x128xi1>
        %eq3A_133 = arith.xori %eq3A_131, %eq3A_132 : vector<4x32x128xi1>
        %xor3A = arith.xori %eq3A_133, %lt3A : vector<4x32x128xi1>
        %select_n3A_134 = arith.select %xor3A, %select_n3A, %get3A_110 : vector<4x32x128xi1>, vector<4x32x128xi32>
        %swap3A_135 = arith.constant 0 : index
        %swap3A_136 = arith.constant 0 : index
        %swap3A_137 = arith.constant 0 : index
        %swap3A_138 = vector.load %arg5[%swap3A_135, %swap3A_136, %swap3A_137] : memref<4x32x128xi32, #tpu.memory_space<vmem>>, vector<4x32x128xi32>
        tpu.vector_store %arg5[%swap3A_135, %swap3A_136, %swap3A_137], %select_n3A_134 {strides = array<i32>} : memref<4x32x128xi32, #tpu.memory_space<vmem>>, vector<4x32x128xi32>,
        %select_n3A_139 = arith.select %xor3A, %select_n3A_130, %get3A_114 : vector<4x32x128xi1>, vector<4x32x128xf32>
        %swap3A_140 = arith.constant 0 : index
        %swap3A_141 = arith.constant 0 : index
        %swap3A_142 = arith.constant 0 : index
        %swap3A_143 = vector.load %arg6[%swap3A_140, %swap3A_141, %swap3A_142] : memref<4x32x128xf32, #tpu.memory_space<vmem>>, vector<4x32x128xf32>
        tpu.vector_store %arg6[%swap3A_140, %swap3A_141, %swap3A_142], %select_n3A_139 {strides = array<i32>} : memref<4x32x128xf32, #tpu.memory_space<vmem>>, vector<4x32x128xf32>,
      }
      %scan3A_102 = arith.constant 7 : i32
    }
    %scan3A_70 = arith.constant 5 : i32
    %get3A_71 = arith.constant 0 : index
    %get3A_72 = arith.constant 0 : index
    %get3A_73 = arith.constant 0 : index
    %get3A_74 = vector.load %arg5[%get3A_71, %get3A_72, %get3A_73] : memref<4x32x128xi32, #tpu.memory_space<vmem>>, vector<4x32x128xi32>
    %swap3A_75 = arith.constant 0 : index
    %swap3A_76 = arith.constant 0 : index
    %swap3A_77 = arith.constant 0 : index
    %swap3A_78 = vector.load %arg1[%swap3A_75, %swap3A_76, %swap3A_77] : memref<4x32x128xi32, #tpu.memory_space<vmem>>, vector<4x32x128xi32>
    tpu.vector_store %arg1[%swap3A_75, %swap3A_76, %swap3A_77], %get3A_74 {strides = array<i32>} : memref<4x32x128xi32, #tpu.memory_space<vmem>>, vector<4x32x128xi32>,
    %get3A_79 = arith.constant 0 : index
    %get3A_80 = arith.constant 0 : index
    %get3A_81 = arith.constant 0 : index
    %get3A_82 = vector.load %arg6[%get3A_79, %get3A_80, %get3A_81] : memref<4x32x128xf32, #tpu.memory_space<vmem>>, vector<4x32x128xf32>
    %swap3A_83 = arith.constant 0 : index
    %swap3A_84 = arith.constant 0 : index
    %swap3A_85 = arith.constant 0 : index
    %swap3A_86 = vector.load %arg2[%swap3A_83, %swap3A_84, %swap3A_85] : memref<4x32x128xf32, #tpu.memory_space<vmem>>, vector<4x32x128xf32>
    tpu.vector_store %arg2[%swap3A_83, %swap3A_84, %swap3A_85], %get3A_82 {strides = array<i32>} : memref<4x32x128xf32, #tpu.memory_space<vmem>>, vector<4x32x128xf32>,
    return
  }
}

</mosaic_0001>

<sc_bundles>
// kernel: kernel.5.cloned.1.call-start
scs
__scs_entry_jumppad:
0x0: {  	(pc) =	sbr.rel $0x88, $3  }
0x1: {  	(tag) =	ssettag $0x0;
	lr =	simm.s32 $0x1  }
0x2: {  	[smem:$0x3F9F] =	sst lr;
	_ =	strace $0xD0000000  }
0x3: {  	_ = 	snop  }
0x4: {  	_ = 	snop  }
0x5: {  	_ = 	snop  }
0x6: {  	_ = 	snop  }
0x7: {  	_ = 	snop  }
__scs_overlays_trampoline_lowered:
0x8: {  	[smem:$0x3FAE] =	sst s0  }
0x9: {  	[smem:$0x3FAF] =	sst s1  }
0xa: {  	[smem:$0x3FB0] =	sst s2  }
0xb: {  	[smem:$0x3FB1] =	sst s3  }
0xc: {  	[smem:$0x3FB2] =	sst s4  }
0xd: {  	[smem:$0x3FB3] =	sst s5  }
0xe: {  	[smem:$0x3FB4] =	sst s6  }
0xf: {  	[smem:$0x3FB5] =	sst s7  }
0x10: {  	[smem:$0x3FB6] =	sst s8  }
0x11: {  	[smem:$0x3FB7] =	sst s9;
	s0 =	simm.s32 @!p0 $0x0  }
0x12: {  	s1 =	sld [smem:$0x3F9D];
	s0 =	simm.s32 @p0 $0x1  }
0x13: {  	[smem:$0x3FB8] =	sst s0;
	s0 =	simm.s32 @!p1 $0x0  }
0x14: {  	s2 =	sld [smem:$0x3F9C];
	s0 =	simm.s32 @p1 $0x1  }
0x15: {  	[smem:$0x3FB9] =	sst s0;
	s0 =	simm.s32 @!p2 $0x0  }
0x16: {  	s3 =	sld [smem:$0x3FDB];
	s0 =	simm.s32 @p2 $0x1  }
0x17: {  	s4 =	simm.s32 $0x1BF5;
	[smem:$0x3FBB] =	sst s0  }
0x18: {  	s0 =	sld [smem:$0x3F9E];
	_ =	swait.ge [sflag:s4], $0x0  }
0x19: {  	s7 =	sld [smem:$0x3F9F]  }
0x1a: {  	s8 =	sadd.s32 $0xFFFFE003, lr  }
0x1b: {  	s9 =	sadd.s32 $0xFFFFFEF7, lr;
	s5 =	simm.s32 $0xFFFFFFFF;
	p2 =	slt.u32 s8, $0xFFFFF086  }
0x1c: {  	p1 =	slt.u32 s9, $0xF7A;
	s5 =	simm.s32 @!p2 $0x0  }
0x1d: {  	s5 =	simm.s32 @p1 $0x1;
	p0 =	seq.s32 s7, s2  }
0x1e: {  	s7 =	smul.u32 @!p0 $0xF7A, s2;
	p2 =	seq.s32 @!p0 s5, $0x0  }
0x1f: {  	s9 =	smul.u32 $0xF7A, s1;
	s8 =	simm.s32 @!p0 $0x1BF5;
	p2 =	por !p2, p0  }
0x20: {  	[sflag:s8] =	ssyncset.s32 @!p0 $0xFFFFF086;
	s6 =	sadd.s32 @!p0 s3, s7;
	s7 =	simm.s32 @!p0 $0x108  }
0x21: {  	s3 =	sadd.s32 s3, s9;
	s6 =	sadd.s32 @!p0 $0x88, s6;
	s7 =	simm.s32 @p2 $0x1082  }
0x22: {  	[simem:s7], [sflag:s8] =	dma.local @!p0 [hbm:s6], $0xF7A  }
0x23: {  	s9 =	sor.u32 $0xD0000000, s2;
	s6 =	simm.s32 $0x108;
	_ =	swait.ge @!p0 [sflag:s8], $0x0  }
0x24: {  	s3 =	sadd.s32 $0x88, s3;
	s6 =	simm.s32 @!p1 $0x1082;
	[sflag:s4] =	ssyncset.s32 $0xFFFFF086  }
0x25: {  	[simem:s6], [sflag:s4] =	dma.local [hbm:s3], $0xF7A  }
0x26: {  	[smem:$0x3F9F] =	sst s1;
	(tag) =	ssettag s2;
	_ =	strace s9  }
0x27: {  	s1 =	sld [smem:$0x3FAF]  }
0x28: {  	s2 =	sld [smem:$0x3FB0]  }
0x29: {  	s4 =	sld [smem:$0x3FB2]  }
0x2a: {  	p0 =	seq.s32 s5, $0x0;
	s5 =	sld [smem:$0x3FB3]  }
0x2b: {  	s6 =	sld [smem:$0x3FB4]  }
0x2c: {  	s7 =	sld [smem:$0x3FB5]  }
0x2d: {  	s3 =	simm.s32 $0x108;
	s8 =	sld [smem:$0x3FB6]  }
0x2e: {  	s3 =	simm.s32 @!p0 $0x1082;
	s9 =	sld [smem:$0x3FB7]  }
0x2f: {  	lr =	sadd.s32 s0, s3;
	s0 =	sld [smem:$0x3FAE]  }
0x30: {  	s3 =	sld [smem:$0x3FB1]  }
0x31: {  	[smem:$0x3FBA] =	sst s10  }
0x32: {  	s10 =	sld [smem:$0x3FB8];
	_ =	sdelay $0x3  }
0x33: {  	p0 =	seq.s32 s10, $0x1;
	s10 =	sld [smem:$0x3FBA];
	_ =	sdelay $0x3  }
0x34: {  	[smem:$0x3FBA] =	sst s10  }
0x35: {  	s10 =	sld [smem:$0x3FB9];
	_ =	sdelay $0x3  }
0x36: {  	p1 =	seq.s32 s10, $0x1;
	s10 =	sld [smem:$0x3FBA];
	_ =	sdelay $0x3  }
0x37: {  	[smem:$0x3FBA] =	sst s10  }
0x38: {  	s10 =	sld [smem:$0x3FBB]  }
0x39: {  	_ = 	snop;
	(pc) =	sbr.ind lr, $3  }
0x3a: {  	_ = 	snop  }
0x3b: {  	_ = 	snop  }
0x3c: {  	p2 =	seq.s32 s10, $0x1;
	s10 =	sld [smem:$0x3FBA]  }
0x3d: {  	_ =	shalt  }
0x3e: {  	_ =	shalt  }
0x3f: {  	_ =	shalt  }
0x40: {  	_ =	shalt  }
0x41: {  	_ =	shalt  }
0x42: {  	_ =	shalt  }
0x43: {  	_ =	shalt  }
0x44: {  	_ =	shalt  }
0x45: {  	_ =	shalt  }
0x46: {  	_ =	shalt  }
0x47: {  	_ =	shalt  }
0x48: {  	_ =	shalt  }
0x49: {  	_ =	shalt  }
0x4a: {  	_ =	shalt  }
0x4b: {  	_ =	shalt  }
0x4c: {  	_ =	shalt  }
0x4d: {  	_ =	shalt  }
0x4e: {  	_ =	shalt  }
0x4f: {  	_ =	shalt  }
0x50: {  	_ =	shalt  }
0x51: {  	_ =	shalt  }
0x52: {  	_ =	shalt  }
0x53: {  	_ =	shalt  }
0x54: {  	_ =	shalt  }
0x55: {  	_ =	shalt  }
0x56: {  	_ =	shalt  }
0x57: {  	_ =	shalt  }
0x58: {  	_ =	shalt  }
0x59: {  	_ =	shalt  }
0x5a: {  	_ =	shalt  }
0x5b: {  	_ =	shalt  }
0x5c: {  	_ =	shalt  }
0x5d: {  	_ =	shalt  }
0x5e: {  	_ =	shalt  }
0x5f: {  	_ =	shalt  }
0x60: {  	_ =	shalt  }
0x61: {  	_ =	shalt  }
0x62: {  	_ =	shalt  }
0x63: {  	_ =	shalt  }
0x64: {  	_ =	shalt  }
0x65: {  	_ =	shalt  }
0x66: {  	_ =	shalt  }
0x67: {  	_ =	shalt  }
0x68: {  	_ =	shalt  }
0x69: {  	_ =	shalt  }
0x6a: {  	_ =	shalt  }
0x6b: {  	_ =	shalt  }
0x6c: {  	_ =	shalt  }
0x6d: {  	_ =	shalt  }
0x6e: {  	_ =	shalt  }
0x6f: {  	_ =	shalt  }
0x70: {  	_ =	shalt  }
0x71: {  	_ =	shalt  }
0x72: {  	_ =	shalt  }
0x73: {  	_ =	shalt  }
0x74: {  	_ =	shalt  }
0x75: {  	_ =	shalt  }
0x76: {  	_ =	shalt  }
0x77: {  	_ =	shalt  }
0x78: {  	_ =	shalt  }
0x79: {  	_ =	shalt  }
0x7a: {  	_ =	shalt  }
0x7b: {  	_ =	shalt  }
0x7c: {  	_ =	shalt  }
0x7d: {  	_ =	shalt  }
0x7e: {  	_ =	shalt  }
0x7f: {  	_ =	shalt  }
0x80: {  	_ =	shalt  }
0x81: {  	_ =	shalt  }
0x82: {  	_ =	shalt  }
0x83: {  	_ =	shalt  }
0x84: {  	_ =	shalt  }
0x85: {  	_ =	shalt  }
0x86: {  	_ =	shalt  }
0x87: {  	_ =	shalt  }
.Lfunc_end0:
.L_simem_size_0:
called_computation_lowered:
.L_overlay_start_0:
0x88: {  	s2 =	sld [smem:$0x3FD9]  }
0x89: {  	s3 =	sld [smem:$0x3FFE];
	_ =	sdelay $0x1  }
0x8a: {  	s1 =	srdreg.scid  }
0x8b: {  	s0 =	sand.u32 $0x1, s1  }
0x8c: {  	s15 =	sshll.u32 s0, $0xA;
	s2 =	sadd.s32 s3, s2  }
0x8d: {  	s2 =	sadd.s32 s2, s15  }
0x8e: {  	[smem:$0x3FC6] =	sst s2  }
0x8f: {  	_ = 	snop  }
0x90: {  	s2 =	sld [smem:$0x3FD0];
	_ =	sdelay $0x2  }
0x91: {  	s4 =	simm.s32 $0xA;
	s5 =	simm.s32 $0x10;
	s16 =	sld [smem:$0x3FC9]  }
0x92: {  	[smem:s5], [sflag:s4] =	dma.local [hbm:s2], $0x1  }
0x93: {  	_ =	swait.eq [sflag:s4], $0x1  }
0x94: {  	[sflag:s4] =	ssyncset.done $0x0  }
0x95: {  	s17 =	sld [smem:$0x10];
	[sflag:s4] =	ssyncadd.s32 $0xFFFFFFFF  }
0x96: {  	s18 =	sld [smem:$0x12];
	(tm) =	ssettm $0x1  }
0x97: {  	s19 =	sld [smem:$0x3FFB];
	_ =	sdelay $0x3  }
0x98: {  	_ =	strace s19  }
0x99: {  	s5 =	sld [smem:$0x3FFC];
	_ =	sdelay $0x3  }
0x9a: {  	_ =	strace s5  }
0x9b: {  	s5 =	sld [smem:$0x3FFD];
	_ =	sdelay $0x3  }
0x9c: {  	_ =	strace s5  }
0x9d: {  	_ =	strace $0x8FFFFFFF  }
0x9e: {  	s20 =	sld [smem:$0x3FDB];
	_ =	sdelay $0x1  }
0x9f: {  	s6 =	simm.s32 $_scs_section_size  }
0xa0: {  	s7 =	simm.s32 $_size__tile_overlayer_lowered;
	s8 =	simm.s32 $_tile_overlayer_lowered  }
0xa1: {  	s23 =	simm.s32 $0x1BFF;
	s22 =	sshll.u32 s8, $0x1;
	s5 =	sadd.s32 s6, s20  }
0xa2: {  	s9 =	simm.s32 $0x0;
	s21 =	sshll.u32 s7, $0x1;
	s7 =	sadd.s32 s22, s5  }
0xa3: {  	[timem:s9], [sflag:s23] =	dma.local [hbm:s7], s21  }
0xa4: {  	_ =	swait.ge [sflag:s23], s21  }
0xa5: {  	s6 =	ssub.s32 $0x0, s21;
	[sflag:s23] =	ssyncset.done $0x0  }
0xa6: {  	[sflag:s23] =	ssyncadd.s32 s6;
	_ =	sdelay $0x1  }
0xa7: {  	s24 =	simm.s32 $0x1B8B  }
0xa8: {  	_ =	swait.ge [sflag:s24], $0x1  }
0xa9: {  	[sflag:s24] =	ssyncset.done $0x0  }
0xaa: {  	s25 =	simm.s32 $0x1B8E;
	[sflag:s24] =	ssyncadd.s32 $0xFFFFFFFF  }
0xab: {  	s26 =	simm.s32 $execute0_lowered;
	[smem:$0x3FD2] =	sst s25  }
0xac: {  	s6 =	sshll.u32 s26, $0x1;
	_ =	strace $0x80000046;
	[dreg:$0x1] =	wrdreg $0xFFFFFFFF  }
0xad: {  	s28 =	simm.s32 $_size_execute0_lowered;
	s5 =	sadd.s32 s5, s6;
	[dreg:$0x0] =	wrdreg $0x0  }
0xae: {  	s6 =	sshll.u32 s28, $0x1;
	[dreg:$0x2] =	wrdreg s5  }
0xaf: {  	[dreg:$0x3] =	wrdreg s6  }
0xb0: {  	[dreg:$0x4] =	wrdreg $0xC0  }
0xb1: {  	_ =	task [dreg:s9], $0x5FFFF  }
0xb2: {  	[dreg:$0x1] =	wrdreg $0xFFFFFFFF  }
0xb3: {  	[dreg:$0x0] =	wrdreg $0x60  }
0xb4: {  	[dreg:$0x2] =	wrdreg s16  }
0xb5: {  	[dreg:$0x3] =	wrdreg s17  }
0xb6: {  	[dreg:$0x4] =	wrdreg s18  }
0xb7: {  	[dreg:$0x5] =	wrdreg $0x9  }
0xb8: {  	_ =	task.clear_ibuf [dreg:s9], $0x6FFFF;
	_ =	strace $0x90000046  }
0xb9: {  	s29 =	simm.s32 $0x9;
	_ =	strace $0x80000048  }
0xba: {  	_ =	swait.ge [sflag:s29], $0x1  }
0xbb: {  	[sflag:s29] =	ssyncadd.s32 $0xFFFFFFFF  }
0xbc: {  	_ =	strace $0x90000048  }
0xbd: {  	_ =	sfence  }
0xbe: {  	s30 =	sld [smem:$0x0];
	_ =	sdelay $0x2  }
0xbf: {  	s31 =	sshll.u32 s1, $0xD;
	s1 =	sshrl.u32 s1, $0x2  }
0xc0: {  	s3 =	sand.u32 $0x4000, s31;
	s1 =	sadd.s32 s1, s30  }
0xc1: {  	s0 =	sor.u32 s3, s0;
	s1 =	sshll.u32 s1, $0x11  }
0xc2: {  	s0 =	sor.u32 s1, s0  }
0xc3: {  	s0 =	sadd.s32 $0x8F2B, s0  }
0xc4: {  	[sflag:s0] =	ssyncadd.remote.s32 $0x1  }
0xc5: {  	_ =	sfence.sel $0xFFFF  }
0xc6: {  	[dreg:$0x0] =	wrdreg $0xFFFFFFFF;
	(pc) =	sbr.abs _section_cstart, $3  }
0xc7: {  	[dreg:$0x1] =	wrdreg $0xFFFFFFFF  }
0xc8: {  	_ =	task.clear_ibuf [dreg:s9], $0x2FFFF;
	_ =	strace $0x9FFFFFFF  }
0xc9: {  	(tm) =	ssettm $0x7FFFFFFF  }
tec
execute0_lowered:
.L_overlay_start_1:
0x0: {  	(tag) =	ssettag $0x1  }
0x1: {  	vm3 =	vcmask $0x300;
	v0 =	vimm.s32 $0x600;
	vm5 =	vcmask $0x704  }
0x2: {  	vm2 =	vcmask $0xB08;
	vm4 =	vcmask $0x1310;
	vm1 =	vcmask $0x1714  }
0x3: {  	vm0 =	vcmask $0x1B18;
	v1 =	vimm.s32 $0x200;
	v2 =	vimm.s32 $0xA00  }
0x4: {  	v3 =	vimm.s32 $0x2;
	vm15 =	vcmask $0x2F2C;
	v4 =	vimm.s32 $0x3030202  }
0x5: {  	v5 =	vimm.s32 $0xB0B0A0A;
	v8 =	vimm.s32 $0xF;
	v0 =	vsel vm3, $0x0, v0  }
0x6: {  	v1 =	vsel vm3, $0x800, v1;
	v2 =	vsel vm3, $0x400, v2;
	vm3 =	vcmask $0x1F1C  }
0x7: {  	s0 =	rddreg [dreg:$0x0];
	v4 =	vunpack.c.0.s8.s32 v4;
	v5 =	vunpack.c.0.s8.s32 v5;
	v0 =	vsel vm5, $0x200, v0  }
0x8: {  	s4 =	rddreg [dreg:$0x1];
	v1 =	vsel vm5, $0xA00, v1;
	v2 =	vsel vm5, $0x600, v2;
	v0 =	vsel vm2, $0x400, v0  }
0x9: {  	s6 =	stileid.u32;
	s1 =	rddreg [dreg:$0x2];
	v1 =	vsel vm2, $0x0, v1;
	v2 =	vsel vm2, $0x800, v2;
	vm2 =	vcmask $0x2320  }
0xa: {  	s2 =	srdreg.scid;
	s9 =	simm.s32 $0x4;
	s3 =	sshll.u32 s6, $0x1;
	v0 =	vsel vm4, $0x800, v0;
	v1 =	vsel vm4, $0x400, v1;
	v2 =	vsel vm4, $0x0, v2  }
0xb: {  	s5 =	sand.u32 $0x1, s2;
	s6 =	sshrl.u32 s6, $0x1;
	s2 =	simm.s32 $0x0;
	v0 =	vsel vm1, $0xA00, v0;
	v1 =	vsel vm1, $0x600, v1;
	v2 =	vsel vm1, $0x200, v2  }
0xc: {  	s18 =	sand.u32 $0x2, s3;
	s7 =	smul.u32 $0x180000, s6;
	s6 =	sshll.u32 s6, $0xB;
	vm1 =	vcmask $0x2B28;
	v0 =	vsel vm0, $0x0, v0;
	v1 =	vsel vm0, $0x800, v1  }
0xd: {  	[smem:$0x7FF] =	sst s2;
	s3 =	sor.u32 s5, s18;
	s5 =	ssub.s32 $0x2, s5;
	v2 =	vsel vm0, $0x400, v2;
	vm0 =	vcmask $0x1700;
	v0 =	vsel vm3, $0x200, v0  }
0xe: {  	_ =	strace $0x80000047;
	s8 =	sshll.u32 s3, $0x7;
	s19 =	sshrl.u32 s5, $0x1;
	v1 =	vsel vm3, $0xA00, v1;
	v2 =	vsel vm3, $0x600, v2;
	v3 =	vsel vm0, $0x0, v3  }
0xf: {  	s3 =	sshll.u32 s3, $0x4;
	s6 =	sor.u32 s6, s8;
	s7 =	sor.u32 s7, s8;
	vm3 =	vcmask $0x3B38;
	v0 =	vsel vm2, $0x400, v0;
	v1 =	vsel vm2, $0x0, v1  }
0x10: {  	s5 =	ssub.s32 s5, s19;
	s6 =	sshrl.u32 s6, $0x3;
	s8 =	sshrl.u32 s7, $0x3;
	v2 =	vsel vm2, $0x800, v2;
	vm2 =	vcmask $0x3330;
	v0 =	vsel vm1, $0x800, v0  }
0x11: {  	s21 =	sadd.s32 $0x90000, s7;
	s23 =	sadd.s32 $0xC0000, s7;
	s26 =	sadd.s32 $0xF0000, s7;
	v1 =	vsel vm1, $0x400, v1;
	v2 =	vsel vm1, $0x0, v2;
	vm1 =	vcmask $0x3734  }
0x12: {  	s29 =	sadd.s32 $0x120000, s7;
	s7 =	sadd.s32 $0x150000, s7;
	s4 =	sadd.s32 s4, s6;
	v0 =	vsel vm15, $0xA00, v0;
	v1 =	vsel vm15, $0x600, v1;
	v2 =	vsel vm15, $0x200, v2  }
0x13: {  	s5 =	smax.u32 s5, $0x1;
	s8 =	sadd.s32 s1, s8;
	[dreg:$0x4] =	wrdreg s4;
	v0 =	vsel vm2, $0x0, v0;
	v1 =	vsel vm2, $0x800, v1;
	v2 =	vsel vm2, $0x400, v2  }
0x14: {  	s24 =	sshrl.u32 s23, $0x3;
	s20 =	sadd.s32 $0x6000, s8;
	[dreg:$0xc] =	wrdreg s8;
	vm2 =	vcmask $0x2F18;
	v0 =	vsel vm1, $0x200, v0;
	v1 =	vsel vm1, $0xA00, v1  }
0x15: {  	s28 =	sshrl.u32 s26, $0x3;
	s22 =	sadd.s32 $0xC000, s8;
	[dreg:$0x5] =	wrdreg s20;
	v2 =	vsel vm1, $0x600, v2;
	vm1 =	vcmask $0xF00;
	v3 =	vsel vm2, $0x1, v3  }
0x16: {  	s6 =	sshrl.u32 s29, $0x3;
	s25 =	sadd.s32 s1, s24;
	[dreg:$0x6] =	wrdreg s22;
	v0 =	vsel vm3, $0x400, v0;
	v4 =	vnsel vm1, $0x5, v4;
	v1 =	vsel vm3, $0x0, v1  }
0x17: {  	s4 =	sshrl.u32 s21, $0x3;
	s30 =	sadd.s32 s1, s6;
	[dreg:$0x8] =	wrdreg s25;
	v2 =	vsel vm3, $0x800, v2;
	vm3 =	vcmask $0x1F10;
	v5 =	vnsel vm1, $0xD, v5  }
0x18: {  	s31 =	sshrl.u32 s7, $0x3;
	s4 =	sadd.s32 s1, s4;
	[dreg:$0xa] =	wrdreg s30;
	v8 =	vsel vm1, $0xD, v8;
	v6 =	vsel vm3, $0x3, v4;
	v4 =	vimm.s32 $0xA  }
0x19: {  	s7 =	simm.s32 $0x200;
	[dreg:$0x7] =	wrdreg s4;
	s4 =	sadd.s32 s1, s28;
	v7 =	vsel vm3, $0xB, v5;
	v4 =	vsel vm0, $0x8, v4;
	vm0 =	vcmask $0x3720  }
0x1a: {  	s6 =	simm.s32 $0x80;
	s1 =	sadd.s32 s1, s31;
	[dreg:$0x9] =	wrdreg s4;
	v5 =	vsel vm0, $0x4, v6;
	v6 =	vsel vm0, $0xC, v7;
	v7 =	vimm.s32 $0x7  }
0x1b: {  	s8 =	simm.s32 $0x3;
	s4 =	sadd.s32 s0, s3;
	[dreg:$0xb] =	wrdreg s1;
	v4 =	vsel vm2, $0x9, v4;
	vm0 =	vcmask $0x2710;
	v7 =	vsel vm1, $0x5, v7  }
0x1c: {  	s0 =	simm.s32 $0x1;
	s1 =	simm.s32 $0x2;
	s3 =	simm.s32 $0xC200;
	v8 =	vsel vm0, $0xE, v8;
	v7 =	vsel vm0, $0x6, v7;
	vm0 =	vmmov $0xffff  }
.LBB2_1:
0x1d: {  	s10 =	rddreg [dreg:$0x4];
	s12 =	simm.s32 $0x5  }
0x1e: {  	[tilespmem:s2], [sflag:$0x5] =	stream.strided.gather [hbm4b:s10+s6], $0x200, s7, s6, $0x38;
	[tilespmem:$0x18200] =	vst v63  }
0x1f: {  	_ =	swait.ge [sflag:s12], $0x200  }
0x20: {  	[sflag:s12] =	ssyncset.done $0x0  }
0x21: {  	[sflag:s12] =	ssyncadd.s32 $0xFFFFFE00  }
0x22: {  	v9 =	vld [tilespmem:$0x0];
	_ =	sdelay $0x4  }
0x23: {  	v9 =	vmul.u32 $0xC00, v9;
	_ =	sdelay $0x1  }
0x24: {  	v10 =	vperm.xlane v9, v3;
	_ =	sdelay $0x1  }
0x25: {  	v11 =	vperm.xlane v9, v5;
	v10 =	vadd.s32 v0, v10;
	_ =	sdelay $0x1  }
0x26: {  	v12 =	vperm.xlane v9, v7;
	v11 =	vadd.s32 v1, v11;
	_ =	sdelay $0x1  }
0x27: {  	v13 =	vperm.xlane v9, v4;
	v12 =	vadd.s32 v2, v12  }
0x28: {  	[tilespmem:s7], [sflag:$0x1] =	stream.indirect_vreg.gather [hbm4b:s4+s2], $0x80, v10, vm0, $0x38;
	[tilespmem:$0x18200] =	vst v63  }
0x29: {  	s13 =	simm.s32 $0xA00;
	v18 =	vperm.xlane v9, v6;
	v10 =	vadd.s32 v0, v13  }
0x2a: {  	[tilespmem:s13], [sflag:$0x1] =	stream.indirect_vreg.gather [hbm4b:s4+s2], $0x80, v11, vm0, $0x38;
	[tilespmem:$0x18200] =	vst v63  }
0x2b: {  	s14 =	simm.s32 $0x1200;
	v9 =	vperm.xlane v9, v8;
	v11 =	vadd.s32 v1, v18  }
0x2c: {  	[tilespmem:s14], [sflag:$0x1] =	stream.indirect_vreg.gather [hbm4b:s4+s2], $0x80, v12, vm0, $0x38;
	[tilespmem:$0x18200] =	vst v63  }
0x2d: {  	s15 =	simm.s32 $0x1A00;
	v9 =	vadd.s32 v2, v9  }
0x2e: {  	[tilespmem:s15], [sflag:$0x1] =	stream.indirect_vreg.gather [hbm4b:s4+s2], $0x80, v10, vm0, $0x38;
	[tilespmem:$0x18200] =	vst v63  }
0x2f: {  	s16 =	simm.s32 $0x2200  }
0x30: {  	[tilespmem:s16], [sflag:$0x1] =	stream.indirect_vreg.gather [hbm4b:s4+s2], $0x80, v11, vm0, $0x38;
	[tilespmem:$0x18200] =	vst v63  }
0x31: {  	s17 =	simm.s32 $0x2A00  }
0x32: {  	[tilespmem:s17], [sflag:$0x1] =	stream.indirect_vreg.gather [hbm4b:s4+s2], $0x80, v9, vm0, $0x38;
	[tilespmem:$0x18200] =	vst v63  }
0x33: {  	v9 =	vld [tilespmem:$0x10];
	_ =	sdelay $0x4  }
0x34: {  	v9 =	vmul.u32 $0xC00, v9;
	_ =	sdelay $0x1  }
0x35: {  	v10 =	vperm.xlane v9, v3;
	_ =	sdelay $0x1  }
0x36: {  	v11 =	vperm.xlane v9, v5;
	v10 =	vadd.s32 v0, v10;
	_ =	sdelay $0x1  }
0x37: {  	v19 =	vperm.xlane v9, v7;
	v11 =	vadd.s32 v1, v11;
	_ =	sdelay $0x1  }
0x38: {  	s18 =	simm.s32 $0x3200;
	v20 =	vperm.xlane v9, v4;
	v12 =	vadd.s32 v2, v19  }
0x39: {  	[tilespmem:s18], [sflag:$0x1] =	stream.indirect_vreg.gather [hbm4b:s4+s2], $0x80, v10, vm0, $0x38;
	[tilespmem:$0x18200] =	vst v63  }
0x3a: {  	s19 =	simm.s32 $0x3A00;
	v21 =	vperm.xlane v9, v6;
	v10 =	vadd.s32 v0, v20  }
0x3b: {  	[tilespmem:s19], [sflag:$0x1] =	stream.indirect_vreg.gather [hbm4b:s4+s2], $0x80, v11, vm0, $0x38;
	[tilespmem:$0x18200] =	vst v63  }
0x3c: {  	s20 =	simm.s32 $0x4200;
	v9 =	vperm.xlane v9, v8;
	v11 =	vadd.s32 v1, v21  }
0x3d: {  	[tilespmem:s20], [sflag:$0x1] =	stream.indirect_vreg.gather [hbm4b:s4+s2], $0x80, v12, vm0, $0x38;
	[tilespmem:$0x18200] =	vst v63  }
0x3e: {  	s21 =	simm.s32 $0x4A00;
	v9 =	vadd.s32 v2, v9  }
0x3f: {  	[tilespmem:s21], [sflag:$0x1] =	stream.indirect_vreg.gather [hbm4b:s4+s2], $0x80, v10, vm0, $0x38;
	[tilespmem:$0x18200] =	vst v63  }
0x40: {  	s22 =	simm.s32 $0x5200  }
0x41: {  	[tilespmem:s22], [sflag:$0x1] =	stream.indirect_vreg.gather [hbm4b:s4+s2], $0x80, v11, vm0, $0x38;
	[tilespmem:$0x18200] =	vst v63  }
0x42: {  	s23 =	simm.s32 $0x5A00  }
0x43: {  	[tilespmem:s23], [sflag:$0x1] =	stream.indirect_vreg.gather [hbm4b:s4+s2], $0x80, v9, vm0, $0x38;
	[tilespmem:$0x18200] =	vst v63  }
0x44: {  	v9 =	vld [tilespmem:$0x20];
	_ =	sdelay $0x4  }
0x45: {  	v9 =	vmul.u32 $0xC00, v9;
	_ =	sdelay $0x1  }
0x46: {  	v10 =	vperm.xlane v9, v3;
	_ =	sdelay $0x1  }
0x47: {  	v11 =	vperm.xlane v9, v5;
	v10 =	vadd.s32 v0, v10;
	_ =	sdelay $0x1  }
0x48: {  	v22 =	vperm.xlane v9, v7;
	v11 =	vadd.s32 v1, v11;
	_ =	sdelay $0x1  }
0x49: {  	s24 =	simm.s32 $0x6200;
	v23 =	vperm.xlane v9, v4;
	v12 =	vadd.s32 v2, v22  }
0x4a: {  	[tilespmem:s24], [sflag:$0x1] =	stream.indirect_vreg.gather [hbm4b:s4+s2], $0x80, v10, vm0, $0x38;
	[tilespmem:$0x18200] =	vst v63  }
0x4b: {  	s30 =	simm.s32 $0x6A00;
	v24 =	vperm.xlane v9, v6;
	v10 =	vadd.s32 v0, v23  }
0x4c: {  	[tilespmem:s30], [sflag:$0x1] =	stream.indirect_vreg.gather [hbm4b:s4+s2], $0x80, v11, vm0, $0x38;
	[tilespmem:$0x18200] =	vst v63  }
0x4d: {  	s31 =	simm.s32 $0x7200;
	v9 =	vperm.xlane v9, v8;
	v11 =	vadd.s32 v1, v24  }
0x4e: {  	[tilespmem:s31], [sflag:$0x1] =	stream.indirect_vreg.gather [hbm4b:s4+s2], $0x80, v12, vm0, $0x38;
	[tilespmem:$0x18200] =	vst v63  }
0x4f: {  	s11 =	simm.s32 $0x7A00;
	v9 =	vadd.s32 v2, v9  }
0x50: {  	[tilespmem:s11], [sflag:$0x1] =	stream.indirect_vreg.gather [hbm4b:s4+s2], $0x80, v10, vm0, $0x38;
	[tilespmem:$0x18200] =	vst v63  }
0x51: {  	s12 =	simm.s32 $0x8200  }
0x52: {  	[tilespmem:s12], [sflag:$0x1] =	stream.indirect_vreg.gather [hbm4b:s4+s2], $0x80, v11, vm0, $0x38;
	[tilespmem:$0x18200] =	vst v63  }
0x53: {  	s23 =	simm.s32 $0x8A00  }
0x54: {  	[tilespmem:s23], [sflag:$0x1] =	stream.indirect_vreg.gather [hbm4b:s4+s2], $0x80, v9, vm0, $0x38;
	[tilespmem:$0x18200] =	vst v63  }
0x55: {  	v9 =	vld [tilespmem:$0x30];
	_ =	sdelay $0x4  }
0x56: {  	v9 =	vmul.u32 $0xC00, v9;
	_ =	sdelay $0x1  }
0x57: {  	v10 =	vperm.xlane v9, v3;
	_ =	sdelay $0x1  }
0x58: {  	v11 =	vperm.xlane v9, v5;
	v10 =	vadd.s32 v0, v10;
	_ =	sdelay $0x1  }
0x59: {  	v25 =	vperm.xlane v9, v7;
	v11 =	vadd.s32 v1, v11;
	_ =	sdelay $0x1  }
0x5a: {  	s24 =	simm.s32 $0x9200;
	v26 =	vperm.xlane v9, v4;
	v12 =	vadd.s32 v2, v25  }
0x5b: {  	[tilespmem:s24], [sflag:$0x1] =	stream.indirect_vreg.gather [hbm4b:s4+s2], $0x80, v10, vm0, $0x38;
	[tilespmem:$0x18200] =	vst v63  }
0x5c: {  	s11 =	simm.s32 $0x9A00;
	v27 =	vperm.xlane v9, v6;
	v10 =	vadd.s32 v0, v26  }
0x5d: {  	[tilespmem:s11], [sflag:$0x1] =	stream.indirect_vreg.gather [hbm4b:s4+s2], $0x80, v11, vm0, $0x38;
	[tilespmem:$0x18200] =	vst v63  }
0x5e: {  	s12 =	simm.s32 $0xA200;
	v9 =	vperm.xlane v9, v8;
	v11 =	vadd.s32 v1, v27  }
0x5f: {  	[tilespmem:s12], [sflag:$0x1] =	stream.indirect_vreg.gather [hbm4b:s4+s2], $0x80, v12, vm0, $0x38;
	[tilespmem:$0x18200] =	vst v63  }
0x60: {  	s10 =	simm.s32 $0xAA00;
	v9 =	vadd.s32 v2, v9  }
0x61: {  	[tilespmem:s10], [sflag:$0x1] =	stream.indirect_vreg.gather [hbm4b:s4+s2], $0x80, v10, vm0, $0x38;
	[tilespmem:$0x18200] =	vst v63  }
0x62: {  	s10 =	simm.s32 $0xB200  }
0x63: {  	[tilespmem:s10], [sflag:$0x1] =	stream.indirect_vreg.gather [hbm4b:s4+s2], $0x80, v11, vm0, $0x38;
	[tilespmem:$0x18200] =	vst v63  }
0x64: {  	s10 =	simm.s32 $0xBA00  }
0x65: {  	[tilespmem:s10], [sflag:$0x1] =	stream.indirect_vreg.gather [hbm4b:s4+s2], $0x80, v9, vm0, $0x38;
	[tilespmem:$0x18200] =	vst v63  }
0x66: {  	_ =	swait.ge [sflag:s0], $0xC000  }
0x67: {  	[sflag:s0] =	ssyncset.done $0x0  }
0x68: {  	[sflag:s0] =	ssyncadd.s32 $0xFFFF4000  }
0x69: {  	v9 =	vld [tilespmem:$0x40];
	_ =	sdelay $0x4  }
0x6a: {  	v9 =	vmul.u32 $0xC00, v9;
	_ =	sdelay $0x1  }
0x6b: {  	v10 =	vperm.xlane v9, v3;
	_ =	sdelay $0x1  }
0x6c: {  	v11 =	vperm.xlane v9, v5;
	v10 =	vadd.s32 v0, v10;
	_ =	sdelay $0x1  }
0x6d: {  	v28 =	vperm.xlane v9, v7;
	v11 =	vadd.s32 v1, v11;
	_ =	sdelay $0x1  }
0x6e: {  	v29 =	vperm.xlane v9, v4;
	v12 =	vadd.s32 v2, v28  }
0x6f: {  	[tilespmem:s3], [sflag:$0x2] =	stream.indirect_vreg.gather [hbm4b:s4+s2], $0x80, v10, vm0, $0x38;
	[tilespmem:$0x18200] =	vst v63  }
0x70: {  	s10 =	simm.s32 $0xCA00;
	v30 =	vperm.xlane v9, v6;
	v10 =	vadd.s32 v0, v29  }
0x71: {  	[tilespmem:s10], [sflag:$0x2] =	stream.indirect_vreg.gather [hbm4b:s4+s2], $0x80, v11, vm0, $0x38;
	[tilespmem:$0x18200] =	vst v63  }
0x72: {  	v9 =	vperm.xlane v9, v8;
	v11 =	vadd.s32 v1, v30;
	s10 =	simm.s32 $0xD200  }
0x73: {  	[tilespmem:s10], [sflag:$0x2] =	stream.indirect_vreg.gather [hbm4b:s4+s2], $0x80, v12, vm0, $0x38;
	[tilespmem:$0x18200] =	vst v63  }
0x74: {  	v9 =	vadd.s32 v2, v9;
	s10 =	simm.s32 $0xDA00  }
0x75: {  	[tilespmem:s10], [sflag:$0x2] =	stream.indirect_vreg.gather [hbm4b:s4+s2], $0x80, v10, vm0, $0x38;
	[tilespmem:$0x18200] =	vst v63  }
0x76: {  	s10 =	simm.s32 $0xE200  }
0x77: {  	[tilespmem:s10], [sflag:$0x2] =	stream.indirect_vreg.gather [hbm4b:s4+s2], $0x80, v11, vm0, $0x38;
	[tilespmem:$0x18200] =	vst v63  }
0x78: {  	s10 =	simm.s32 $0xEA00  }
0x79: {  	[tilespmem:s10], [sflag:$0x2] =	stream.indirect_vreg.gather [hbm4b:s4+s2], $0x80, v9, vm0, $0x38;
	[tilespmem:$0x18200] =	vst v63  }
0x7a: {  	v9 =	vld [tilespmem:$0x50];
	_ =	sdelay $0x4  }
0x7b: {  	v9 =	vmul.u32 $0xC00, v9;
	_ =	sdelay $0x1  }
0x7c: {  	v10 =	vperm.xlane v9, v3;
	_ =	sdelay $0x1  }
0x7d: {  	v11 =	vperm.xlane v9, v5;
	v10 =	vadd.s32 v0, v10;
	_ =	sdelay $0x1  }
0x7e: {  	v31 =	vperm.xlane v9, v7;
	v11 =	vadd.s32 v1, v11;
	_ =	sdelay $0x1  }
0x7f: {  	s10 =	simm.s32 $0xF200;
	v32 =	vperm.xlane v9, v4;
	v12 =	vadd.s32 v2, v31  }
0x80: {  	[tilespmem:s10], [sflag:$0x2] =	stream.indirect_vreg.gather [hbm4b:s4+s2], $0x80, v10, vm0, $0x38;
	[tilespmem:$0x18200] =	vst v63  }
0x81: {  	v33 =	vperm.xlane v9, v6;
	v10 =	vadd.s32 v0, v32;
	s10 =	simm.s32 $0xFA00  }
0x82: {  	[tilespmem:s10], [sflag:$0x2] =	stream.indirect_vreg.gather [hbm4b:s4+s2], $0x80, v11, vm0, $0x38;
	[tilespmem:$0x18200] =	vst v63  }
0x83: {  	v9 =	vperm.xlane v9, v8;
	v11 =	vadd.s32 v1, v33;
	s10 =	simm.s32 $0x10200  }
0x84: {  	[tilespmem:s10], [sflag:$0x2] =	stream.indirect_vreg.gather [hbm4b:s4+s2], $0x80, v12, vm0, $0x38;
	[tilespmem:$0x18200] =	vst v63  }
0x85: {  	v9 =	vadd.s32 v2, v9;
	s10 =	simm.s32 $0x10A00  }
0x86: {  	[tilespmem:s10], [sflag:$0x2] =	stream.indirect_vreg.gather [hbm4b:s4+s2], $0x80, v10, vm0, $0x38;
	[tilespmem:$0x18200] =	vst v63  }
0x87: {  	s10 =	simm.s32 $0x11200  }
0x88: {  	[tilespmem:s10], [sflag:$0x2] =	stream.indirect_vreg.gather [hbm4b:s4+s2], $0x80, v11, vm0, $0x38;
	[tilespmem:$0x18200] =	vst v63  }
0x89: {  	s10 =	simm.s32 $0x11A00  }
0x8a: {  	[tilespmem:s10], [sflag:$0x2] =	stream.indirect_vreg.gather [hbm4b:s4+s2], $0x80, v9, vm0, $0x38;
	[tilespmem:$0x18200] =	vst v63  }
0x8b: {  	v9 =	vld [tilespmem:$0x60];
	_ =	sdelay $0x4  }
0x8c: {  	v9 =	vmul.u32 $0xC00, v9;
	_ =	sdelay $0x1  }
0x8d: {  	v10 =	vperm.xlane v9, v3;
	_ =	sdelay $0x1  }
0x8e: {  	v11 =	vperm.xlane v9, v5;
	v10 =	vadd.s32 v0, v10;
	_ =	sdelay $0x1  }
0x8f: {  	v34 =	vperm.xlane v9, v7;
	v11 =	vadd.s32 v1, v11;
	_ =	sdelay $0x1  }
0x90: {  	s10 =	simm.s32 $0x12200;
	v35 =	vperm.xlane v9, v4;
	v12 =	vadd.s32 v2, v34  }
0x91: {  	[tilespmem:s10], [sflag:$0x2] =	stream.indirect_vreg.gather [hbm4b:s4+s2], $0x80, v10, vm0, $0x38;
	[tilespmem:$0x18200] =	vst v63  }
0x92: {  	v36 =	vperm.xlane v9, v6;
	v10 =	vadd.s32 v0, v35;
	s10 =	simm.s32 $0x12A00  }
0x93: {  	[tilespmem:s10], [sflag:$0x2] =	stream.indirect_vreg.gather [hbm4b:s4+s2], $0x80, v11, vm0, $0x38;
	[tilespmem:$0x18200] =	vst v63  }
0x94: {  	v9 =	vperm.xlane v9, v8;
	v11 =	vadd.s32 v1, v36;
	s10 =	simm.s32 $0x13200  }
0x95: {  	[tilespmem:s10], [sflag:$0x2] =	stream.indirect_vreg.gather [hbm4b:s4+s2], $0x80, v12, vm0, $0x38;
	[tilespmem:$0x18200] =	vst v63  }
0x96: {  	v9 =	vadd.s32 v2, v9;
	s10 =	simm.s32 $0x13A00  }
0x97: {  	[tilespmem:s10], [sflag:$0x2] =	stream.indirect_vreg.gather [hbm4b:s4+s2], $0x80, v10, vm0, $0x38;
	[tilespmem:$0x18200] =	vst v63  }
0x98: {  	s10 =	simm.s32 $0x14200  }
0x99: {  	[tilespmem:s10], [sflag:$0x2] =	stream.indirect_vreg.gather [hbm4b:s4+s2], $0x80, v11, vm0, $0x38;
	[tilespmem:$0x18200] =	vst v63  }
0x9a: {  	s10 =	simm.s32 $0x14A00  }
0x9b: {  	[tilespmem:s10], [sflag:$0x2] =	stream.indirect_vreg.gather [hbm4b:s4+s2], $0x80, v9, vm0, $0x38;
	[tilespmem:$0x18200] =	vst v63  }
0x9c: {  	v9 =	vld [tilespmem:$0x70];
	_ =	sdelay $0x4  }
0x9d: {  	v9 =	vmul.u32 $0xC00, v9;
	_ =	sdelay $0x1  }
0x9e: {  	v10 =	vperm.xlane v9, v3;
	_ =	sdelay $0x1  }
0x9f: {  	v11 =	vperm.xlane v9, v5;
	v10 =	vadd.s32 v0, v10;
	_ =	sdelay $0x1  }
0xa0: {  	v37 =	vperm.xlane v9, v7;
	v11 =	vadd.s32 v1, v11;
	_ =	sdelay $0x1  }
0xa1: {  	s10 =	simm.s32 $0x15200;
	v38 =	vperm.xlane v9, v4;
	v12 =	vadd.s32 v2, v37  }
0xa2: {  	[tilespmem:s10], [sflag:$0x2] =	stream.indirect_vreg.gather [hbm4b:s4+s2], $0x80, v10, vm0, $0x38;
	[tilespmem:$0x18200] =	vst v63  }
0xa3: {  	v39 =	vperm.xlane v9, v6;
	v10 =	vadd.s32 v0, v38;
	s10 =	simm.s32 $0x15A00  }
0xa4: {  	[tilespmem:s10], [sflag:$0x2] =	stream.indirect_vreg.gather [hbm4b:s4+s2], $0x80, v11, vm0, $0x38;
	[tilespmem:$0x18200] =	vst v63  }
0xa5: {  	v9 =	vperm.xlane v9, v8;
	v11 =	vadd.s32 v1, v39;
	s10 =	simm.s32 $0x16200  }
0xa6: {  	[tilespmem:s10], [sflag:$0x2] =	stream.indirect_vreg.gather [hbm4b:s4+s2], $0x80, v12, vm0, $0x38;
	[tilespmem:$0x18200] =	vst v63  }
0xa7: {  	v9 =	vadd.s32 v2, v9;
	s10 =	simm.s32 $0x16A00  }
0xa8: {  	[tilespmem:s10], [sflag:$0x2] =	stream.indirect_vreg.gather [hbm4b:s4+s2], $0x80, v10, vm0, $0x38;
	[tilespmem:$0x18200] =	vst v63  }
0xa9: {  	s10 =	simm.s32 $0x17200  }
0xaa: {  	[tilespmem:s10], [sflag:$0x2] =	stream.indirect_vreg.gather [hbm4b:s4+s2], $0x80, v11, vm0, $0x38;
	[tilespmem:$0x18200] =	vst v63  }
0xab: {  	s10 =	simm.s32 $0x17A00  }
0xac: {  	[tilespmem:s10], [sflag:$0x2] =	stream.indirect_vreg.gather [hbm4b:s4+s2], $0x80, v9, vm0, $0x38;
	[tilespmem:$0x18200] =	vst v63  }
0xad: {  	s10 =	rddreg [dreg:$0xc]  }
0xae: {  	[hbm4b:s10+s6] =	stream.strided.scatter [tilespmem:s7], [sflag:$0x3], $0xC000, s7, s6, $0x38;
	[tilespmem:$0x18200] =	vst v63  }
0xaf: {  	_ =	swait.ge [sflag:s1], $0xC000  }
0xb0: {  	[sflag:s1] =	ssyncset.done $0x0  }
0xb1: {  	[sflag:s1] =	ssyncadd.s32 $0xFFFF4000  }
0xb2: {  	_ =	swait.ge [sflag:s8], $0xC000  }
0xb3: {  	[sflag:s8] =	ssyncset.done $0x0  }
0xb4: {  	[sflag:s8] =	ssyncadd.s32 $0xFFFF4000  }
0xb5: {  	v9 =	vld [tilespmem:$0x80];
	_ =	sdelay $0x4  }
0xb6: {  	v9 =	vmul.u32 $0xC00, v9;
	_ =	sdelay $0x1  }
0xb7: {  	v10 =	vperm.xlane v9, v3;
	_ =	sdelay $0x1  }
0xb8: {  	v11 =	vperm.xlane v9, v5;
	v10 =	vadd.s32 v0, v10;
	_ =	sdelay $0x1  }
0xb9: {  	v40 =	vperm.xlane v9, v7;
	v11 =	vadd.s32 v1, v11;
	_ =	sdelay $0x1  }
0xba: {  	v41 =	vperm.xlane v9, v4;
	v12 =	vadd.s32 v2, v40  }
0xbb: {  	[tilespmem:s7], [sflag:$0x1] =	stream.indirect_vreg.gather [hbm4b:s4+s2], $0x80, v10, vm0, $0x38;
	[tilespmem:$0x18200] =	vst v63  }
0xbc: {  	s13 =	simm.s32 $0xA00;
	v42 =	vperm.xlane v9, v6;
	v10 =	vadd.s32 v0, v41  }
0xbd: {  	[tilespmem:s13], [sflag:$0x1] =	stream.indirect_vreg.gather [hbm4b:s4+s2], $0x80, v11, vm0, $0x38;
	[tilespmem:$0x18200] =	vst v63  }
0xbe: {  	s14 =	simm.s32 $0x1200;
	v9 =	vperm.xlane v9, v8;
	v11 =	vadd.s32 v1, v42  }
0xbf: {  	[tilespmem:s14], [sflag:$0x1] =	stream.indirect_vreg.gather [hbm4b:s4+s2], $0x80, v12, vm0, $0x38;
	[tilespmem:$0x18200] =	vst v63  }
0xc0: {  	s25 =	simm.s32 $0x1A00;
	v9 =	vadd.s32 v2, v9  }
0xc1: {  	[tilespmem:s25], [sflag:$0x1] =	stream.indirect_vreg.gather [hbm4b:s4+s2], $0x80, v10, vm0, $0x38;
	[tilespmem:$0x18200] =	vst v63  }
0xc2: {  	s26 =	simm.s32 $0x2200  }
0xc3: {  	[tilespmem:s26], [sflag:$0x1] =	stream.indirect_vreg.gather [hbm4b:s4+s2], $0x80, v11, vm0, $0x38;
	[tilespmem:$0x18200] =	vst v63  }
0xc4: {  	s15 =	simm.s32 $0x2A00  }
0xc5: {  	[tilespmem:s15], [sflag:$0x1] =	stream.indirect_vreg.gather [hbm4b:s4+s2], $0x80, v9, vm0, $0x38;
	[tilespmem:$0x18200] =	vst v63  }
0xc6: {  	v9 =	vld [tilespmem:$0x90];
	_ =	sdelay $0x4  }
0xc7: {  	v9 =	vmul.u32 $0xC00, v9;
	_ =	sdelay $0x1  }
0xc8: {  	v10 =	vperm.xlane v9, v3;
	_ =	sdelay $0x1  }
0xc9: {  	v11 =	vperm.xlane v9, v5;
	v10 =	vadd.s32 v0, v10;
	_ =	sdelay $0x1  }
0xca: {  	v43 =	vperm.xlane v9, v7;
	v11 =	vadd.s32 v1, v11;
	_ =	sdelay $0x1  }
0xcb: {  	s16 =	simm.s32 $0x3200;
	v44 =	vperm.xlane v9, v4;
	v12 =	vadd.s32 v2, v43  }
0xcc: {  	[tilespmem:s16], [sflag:$0x1] =	stream.indirect_vreg.gather [hbm4b:s4+s2], $0x80, v10, vm0, $0x38;
	[tilespmem:$0x18200] =	vst v63  }
0xcd: {  	s17 =	simm.s32 $0x3A00;
	v45 =	vperm.xlane v9, v6;
	v10 =	vadd.s32 v0, v44  }
0xce: {  	[tilespmem:s17], [sflag:$0x1] =	stream.indirect_vreg.gather [hbm4b:s4+s2], $0x80, v11, vm0, $0x38;
	[tilespmem:$0x18200] =	vst v63  }
0xcf: {  	s18 =	simm.s32 $0x4200;
	v9 =	vperm.xlane v9, v8;
	v11 =	vadd.s32 v1, v45  }
0xd0: {  	[tilespmem:s18], [sflag:$0x1] =	stream.indirect_vreg.gather [hbm4b:s4+s2], $0x80, v12, vm0, $0x38;
	[tilespmem:$0x18200] =	vst v63  }
0xd1: {  	s28 =	simm.s32 $0x4A00;
	v9 =	vadd.s32 v2, v9  }
0xd2: {  	[tilespmem:s28], [sflag:$0x1] =	stream.indirect_vreg.gather [hbm4b:s4+s2], $0x80, v10, vm0, $0x38;
	[tilespmem:$0x18200] =	vst v63  }
0xd3: {  	s29 =	simm.s32 $0x5200  }
0xd4: {  	[tilespmem:s29], [sflag:$0x1] =	stream.indirect_vreg.gather [hbm4b:s4+s2], $0x80, v11, vm0, $0x38;
	[tilespmem:$0x18200] =	vst v63  }
0xd5: {  	s19 =	simm.s32 $0x5A00  }
0xd6: {  	[tilespmem:s19], [sflag:$0x1] =	stream.indirect_vreg.gather [hbm4b:s4+s2], $0x80, v9, vm0, $0x38;
	[tilespmem:$0x18200] =	vst v63  }
0xd7: {  	v9 =	vld [tilespmem:$0xA0];
	_ =	sdelay $0x4  }
0xd8: {  	v9 =	vmul.u32 $0xC00, v9;
	_ =	sdelay $0x1  }
0xd9: {  	v10 =	vperm.xlane v9, v3;
	_ =	sdelay $0x1  }
0xda: {  	v11 =	vperm.xlane v9, v5;
	v10 =	vadd.s32 v0, v10;
	_ =	sdelay $0x1  }
0xdb: {  	v46 =	vperm.xlane v9, v7;
	v11 =	vadd.s32 v1, v11;
	_ =	sdelay $0x1  }
0xdc: {  	s20 =	simm.s32 $0x6200;
	v47 =	vperm.xlane v9, v4;
	v12 =	vadd.s32 v2, v46  }
0xdd: {  	[tilespmem:s20], [sflag:$0x1] =	stream.indirect_vreg.gather [hbm4b:s4+s2], $0x80, v10, vm0, $0x38;
	[tilespmem:$0x18200] =	vst v63  }
0xde: {  	s21 =	simm.s32 $0x6A00;
	v48 =	vperm.xlane v9, v6;
	v10 =	vadd.s32 v0, v47  }
0xdf: {  	[tilespmem:s21], [sflag:$0x1] =	stream.indirect_vreg.gather [hbm4b:s4+s2], $0x80, v11, vm0, $0x38;
	[tilespmem:$0x18200] =	vst v63  }
0xe0: {  	s22 =	simm.s32 $0x7200;
	v9 =	vperm.xlane v9, v8;
	v11 =	vadd.s32 v1, v48  }
0xe1: {  	[tilespmem:s22], [sflag:$0x1] =	stream.indirect_vreg.gather [hbm4b:s4+s2], $0x80, v12, vm0, $0x38;
	[tilespmem:$0x18200] =	vst v63  }
0xe2: {  	s30 =	simm.s32 $0x7A00;
	v9 =	vadd.s32 v2, v9  }
0xe3: {  	[tilespmem:s30], [sflag:$0x1] =	stream.indirect_vreg.gather [hbm4b:s4+s2], $0x80, v10, vm0, $0x38;
	[tilespmem:$0x18200] =	vst v63  }
0xe4: {  	s31 =	simm.s32 $0x8200  }
0xe5: {  	[tilespmem:s31], [sflag:$0x1] =	stream.indirect_vreg.gather [hbm4b:s4+s2], $0x80, v11, vm0, $0x38;
	[tilespmem:$0x18200] =	vst v63  }
0xe6: {  	s23 =	simm.s32 $0x8A00  }
0xe7: {  	[tilespmem:s23], [sflag:$0x1] =	stream.indirect_vreg.gather [hbm4b:s4+s2], $0x80, v9, vm0, $0x38;
	[tilespmem:$0x18200] =	vst v63  }
0xe8: {  	v9 =	vld [tilespmem:$0xB0];
	_ =	sdelay $0x4  }
0xe9: {  	v9 =	vmul.u32 $0xC00, v9;
	_ =	sdelay $0x1  }
0xea: {  	v10 =	vperm.xlane v9, v3;
	_ =	sdelay $0x1  }
0xeb: {  	v11 =	vperm.xlane v9, v5;
	v10 =	vadd.s32 v0, v10;
	_ =	sdelay $0x1  }
0xec: {  	v49 =	vperm.xlane v9, v7;
	v11 =	vadd.s32 v1, v11;
	_ =	sdelay $0x1  }
0xed: {  	s24 =	simm.s32 $0x9200;
	v50 =	vperm.xlane v9, v4;
	v12 =	vadd.s32 v2, v49  }
0xee: {  	[tilespmem:s24], [sflag:$0x1] =	stream.indirect_vreg.gather [hbm4b:s4+s2], $0x80, v10, vm0, $0x38;
	[tilespmem:$0x18200] =	vst v63  }
0xef: {  	s11 =	simm.s32 $0x9A00;
	v51 =	vperm.xlane v9, v6;
	v10 =	vadd.s32 v0, v50  }
0xf0: {  	[tilespmem:s11], [sflag:$0x1] =	stream.indirect_vreg.gather [hbm4b:s4+s2], $0x80, v11, vm0, $0x38;
	[tilespmem:$0x18200] =	vst v63  }
0xf1: {  	s12 =	simm.s32 $0xA200;
	v9 =	vperm.xlane v9, v8;
	v11 =	vadd.s32 v1, v51  }
0xf2: {  	[tilespmem:s12], [sflag:$0x1] =	stream.indirect_vreg.gather [hbm4b:s4+s2], $0x80, v12, vm0, $0x38;
	[tilespmem:$0x18200] =	vst v63  }
0xf3: {  	s22 =	simm.s32 $0xAA00;
	v9 =	vadd.s32 v2, v9  }
0xf4: {  	[tilespmem:s22], [sflag:$0x1] =	stream.indirect_vreg.gather [hbm4b:s4+s2], $0x80, v10, vm0, $0x38;
	[tilespmem:$0x18200] =	vst v63  }
0xf5: {  	s23 =	simm.s32 $0xB200  }
0xf6: {  	[tilespmem:s23], [sflag:$0x1] =	stream.indirect_vreg.gather [hbm4b:s4+s2], $0x80, v11, vm0, $0x38;
	[tilespmem:$0x18200] =	vst v63  }
0xf7: {  	s25 =	simm.s32 $0xBA00  }
0xf8: {  	[tilespmem:s25], [sflag:$0x1] =	stream.indirect_vreg.gather [hbm4b:s4+s2], $0x80, v9, vm0, $0x38;
	[tilespmem:$0x18200] =	vst v63  }
0xf9: {  	s24 =	rddreg [dreg:$0x5]  }
0xfa: {  	[hbm4b:s24+s6] =	stream.strided.scatter [tilespmem:s3], [sflag:$0x4], $0xC000, s7, s6, $0x38;
	[tilespmem:$0x18200] =	vst v63  }
0xfb: {  	_ =	swait.ge [sflag:s0], $0xC000  }
0xfc: {  	[sflag:s0] =	ssyncset.done $0x0  }
0xfd: {  	[sflag:s0] =	ssyncadd.s32 $0xFFFF4000  }
0xfe: {  	_ =	swait.ge [sflag:s9], $0xC000  }
0xff: {  	[sflag:s9] =	ssyncset.done $0x0  }
0x100: {  	[sflag:s9] =	ssyncadd.s32 $0xFFFF4000  }
0x101: {  	v9 =	vld [tilespmem:$0xC0];
	_ =	sdelay $0x4  }
0x102: {  	v9 =	vmul.u32 $0xC00, v9;
	_ =	sdelay $0x1  }
0x103: {  	v10 =	vperm.xlane v9, v3;
	_ =	sdelay $0x1  }
0x104: {  	v11 =	vperm.xlane v9, v5;
	v10 =	vadd.s32 v0, v10;
	_ =	sdelay $0x1  }
0x105: {  	v52 =	vperm.xlane v9, v7;
	v11 =	vadd.s32 v1, v11;
	_ =	sdelay $0x1  }
0x106: {  	v53 =	vperm.xlane v9, v4;
	v12 =	vadd.s32 v2, v52  }
0x107: {  	[tilespmem:s3], [sflag:$0x2] =	stream.indirect_vreg.gather [hbm4b:s4+s2], $0x80, v10, vm0, $0x38;
	[tilespmem:$0x18200] =	vst v63  }
0x108: {  	s26 =	simm.s32 $0xCA00;
	v54 =	vperm.xlane v9, v6;
	v10 =	vadd.s32 v0, v53  }
0x109: {  	[tilespmem:s26], [sflag:$0x2] =	stream.indirect_vreg.gather [hbm4b:s4+s2], $0x80, v11, vm0, $0x38;
	[tilespmem:$0x18200] =	vst v63  }
0x10a: {  	s28 =	simm.s32 $0xD200;
	v9 =	vperm.xlane v9, v8;
	v11 =	vadd.s32 v1, v54  }
0x10b: {  	[tilespmem:s28], [sflag:$0x2] =	stream.indirect_vreg.gather [hbm4b:s4+s2], $0x80, v12, vm0, $0x38;
	[tilespmem:$0x18200] =	vst v63  }
0x10c: {  	s29 =	simm.s32 $0xDA00;
	v9 =	vadd.s32 v2, v9  }
0x10d: {  	[tilespmem:s29], [sflag:$0x2] =	stream.indirect_vreg.gather [hbm4b:s4+s2], $0x80, v10, vm0, $0x38;
	[tilespmem:$0x18200] =	vst v63  }
0x10e: {  	s30 =	simm.s32 $0xE200  }
0x10f: {  	[tilespmem:s30], [sflag:$0x2] =	stream.indirect_vreg.gather [hbm4b:s4+s2], $0x80, v11, vm0, $0x38;
	[tilespmem:$0x18200] =	vst v63  }
0x110: {  	s31 =	simm.s32 $0xEA00  }
0x111: {  	[tilespmem:s31], [sflag:$0x2] =	stream.indirect_vreg.gather [hbm4b:s4+s2], $0x80, v9, vm0, $0x38;
	[tilespmem:$0x18200] =	vst v63  }
0x112: {  	v9 =	vld [tilespmem:$0xD0];
	_ =	sdelay $0x4  }
0x113: {  	v9 =	vmul.u32 $0xC00, v9;
	_ =	sdelay $0x1  }
0x114: {  	v10 =	vperm.xlane v9, v3;
	_ =	sdelay $0x1  }
0x115: {  	v11 =	vperm.xlane v9, v5;
	v10 =	vadd.s32 v0, v10;
	_ =	sdelay $0x1  }
0x116: {  	v55 =	vperm.xlane v9, v7;
	v11 =	vadd.s32 v1, v11;
	_ =	sdelay $0x1  }
0x117: {  	s11 =	simm.s32 $0xF200;
	v56 =	vperm.xlane v9, v4;
	v12 =	vadd.s32 v2, v55  }
0x118: {  	[tilespmem:s11], [sflag:$0x2] =	stream.indirect_vreg.gather [hbm4b:s4+s2], $0x80, v10, vm0, $0x38;
	[tilespmem:$0x18200] =	vst v63  }
0x119: {  	s13 =	simm.s32 $0xFA00;
	v57 =	vperm.xlane v9, v6;
	v10 =	vadd.s32 v0, v56  }
0x11a: {  	[tilespmem:s13], [sflag:$0x2] =	stream.indirect_vreg.gather [hbm4b:s4+s2], $0x80, v11, vm0, $0x38;
	[tilespmem:$0x18200] =	vst v63  }
0x11b: {  	s14 =	simm.s32 $0x10200;
	v9 =	vperm.xlane v9, v8;
	v11 =	vadd.s32 v1, v57  }
0x11c: {  	[tilespmem:s14], [sflag:$0x2] =	stream.indirect_vreg.gather [hbm4b:s4+s2], $0x80, v12, vm0, $0x38;
	[tilespmem:$0x18200] =	vst v63  }
0x11d: {  	s15 =	simm.s32 $0x10A00;
	v9 =	vadd.s32 v2, v9  }
0x11e: {  	[tilespmem:s15], [sflag:$0x2] =	stream.indirect_vreg.gather [hbm4b:s4+s2], $0x80, v10, vm0, $0x38;
	[tilespmem:$0x18200] =	vst v63  }
0x11f: {  	s16 =	simm.s32 $0x11200  }
0x120: {  	[tilespmem:s16], [sflag:$0x2] =	stream.indirect_vreg.gather [hbm4b:s4+s2], $0x80, v11, vm0, $0x38;
	[tilespmem:$0x18200] =	vst v63  }
0x121: {  	s17 =	simm.s32 $0x11A00  }
0x122: {  	[tilespmem:s17], [sflag:$0x2] =	stream.indirect_vreg.gather [hbm4b:s4+s2], $0x80, v9, vm0, $0x38;
	[tilespmem:$0x18200] =	vst v63  }
0x123: {  	v9 =	vld [tilespmem:$0xE0];
	_ =	sdelay $0x4  }
0x124: {  	v9 =	vmul.u32 $0xC00, v9;
	_ =	sdelay $0x1  }
0x125: {  	v10 =	vperm.xlane v9, v3;
	_ =	sdelay $0x1  }
0x126: {  	v11 =	vperm.xlane v9, v5;
	v10 =	vadd.s32 v0, v10;
	_ =	sdelay $0x1  }
0x127: {  	v58 =	vperm.xlane v9, v7;
	v11 =	vadd.s32 v1, v11;
	_ =	sdelay $0x1  }
0x128: {  	s18 =	simm.s32 $0x12200;
	v59 =	vperm.xlane v9, v4;
	v12 =	vadd.s32 v2, v58  }
0x129: {  	[tilespmem:s18], [sflag:$0x2] =	stream.indirect_vreg.gather [hbm4b:s4+s2], $0x80, v10, vm0, $0x38;
	[tilespmem:$0x18200] =	vst v63  }
0x12a: {  	s24 =	simm.s32 $0x12A00;
	v60 =	vperm.xlane v9, v6;
	v10 =	vadd.s32 v0, v59  }
0x12b: {  	[tilespmem:s24], [sflag:$0x2] =	stream.indirect_vreg.gather [hbm4b:s4+s2], $0x80, v11, vm0, $0x38;
	[tilespmem:$0x18200] =	vst v63  }
0x12c: {  	s26 =	simm.s32 $0x13200;
	v9 =	vperm.xlane v9, v8;
	v11 =	vadd.s32 v1, v60  }
0x12d: {  	[tilespmem:s26], [sflag:$0x2] =	stream.indirect_vreg.gather [hbm4b:s4+s2], $0x80, v12, vm0, $0x38;
	[tilespmem:$0x18200] =	vst v63  }
0x12e: {  	s28 =	simm.s32 $0x13A00;
	v9 =	vadd.s32 v2, v9  }
0x12f: {  	[tilespmem:s28], [sflag:$0x2] =	stream.indirect_vreg.gather [hbm4b:s4+s2], $0x80, v10, vm0, $0x38;
	[tilespmem:$0x18200] =	vst v63  }
0x130: {  	s31 =	simm.s32 $0x14200  }
0x131: {  	[tilespmem:s31], [sflag:$0x2] =	stream.indirect_vreg.gather [hbm4b:s4+s2], $0x80, v11, vm0, $0x38;
	[tilespmem:$0x18200] =	vst v63  }
0x132: {  	s11 =	simm.s32 $0x14A00  }
0x133: {  	[tilespmem:s11], [sflag:$0x2] =	stream.indirect_vreg.gather [hbm4b:s4+s2], $0x80, v9, vm0, $0x38;
	[tilespmem:$0x18200] =	vst v63  }
0x134: {  	v9 =	vld [tilespmem:$0xF0];
	_ =	sdelay $0x4  }
0x135: {  	v9 =	vmul.u32 $0xC00, v9;
	_ =	sdelay $0x1  }
0x136: {  	v10 =	vperm.xlane v9, v3;
	_ =	sdelay $0x1  }
0x137: {  	v11 =	vperm.xlane v9, v5;
	v10 =	vadd.s32 v0, v10;
	_ =	sdelay $0x1  }
0x138: {  	v61 =	vperm.xlane v9, v7;
	v11 =	vadd.s32 v1, v11;
	_ =	sdelay $0x1  }
0x139: {  	s17 =	simm.s32 $0x15200;
	v62 =	vperm.xlane v9, v4;
	v12 =	vadd.s32 v2, v61  }
0x13a: {  	[tilespmem:s17], [sflag:$0x2] =	stream.indirect_vreg.gather [hbm4b:s4+s2], $0x80, v10, vm0, $0x38;
	[tilespmem:$0x18200] =	vst v63  }
0x13b: {  	s18 =	simm.s32 $0x15A00;
	v63 =	vperm.xlane v9, v6;
	v10 =	vadd.s32 v0, v62  }
0x13c: {  	[tilespmem:s18], [sflag:$0x2] =	stream.indirect_vreg.gather [hbm4b:s4+s2], $0x80, v11, vm0, $0x38;
	[tilespmem:$0x18200] =	vst v63  }
0x13d: {  	s11 =	simm.s32 $0x16200;
	v9 =	vperm.xlane v9, v8;
	v11 =	vadd.s32 v1, v63  }
0x13e: {  	[tilespmem:s11], [sflag:$0x2] =	stream.indirect_vreg.gather [hbm4b:s4+s2], $0x80, v12, vm0, $0x38;
	[tilespmem:$0x18200] =	vst v63  }
0x13f: {  	v9 =	vadd.s32 v2, v9;
	s17 =	simm.s32 $0x16A00  }
0x140: {  	[tilespmem:s17], [sflag:$0x2] =	stream.indirect_vreg.gather [hbm4b:s4+s2], $0x80, v10, vm0, $0x38;
	[tilespmem:$0x18200] =	vst v63  }
0x141: {  	s18 =	simm.s32 $0x17200  }
0x142: {  	[tilespmem:s18], [sflag:$0x2] =	stream.indirect_vreg.gather [hbm4b:s4+s2], $0x80, v11, vm0, $0x38;
	[tilespmem:$0x18200] =	vst v63  }
0x143: {  	s11 =	simm.s32 $0x17A00  }
0x144: {  	[tilespmem:s11], [sflag:$0x2] =	stream.indirect_vreg.gather [hbm4b:s4+s2], $0x80, v9, vm0, $0x38;
	[tilespmem:$0x18200] =	vst v63  }
0x145: {  	s10 =	rddreg [dreg:$0x6]  }
0x146: {  	[hbm4b:s10+s6] =	stream.strided.scatter [tilespmem:s7], [sflag:$0x3], $0xC000, s7, s6, $0x38;
	[tilespmem:$0x18200] =	vst v63  }
0x147: {  	_ =	swait.ge [sflag:s1], $0xC000  }
0x148: {  	[sflag:s1] =	ssyncset.done $0x0  }
0x149: {  	[sflag:s1] =	ssyncadd.s32 $0xFFFF4000  }
0x14a: {  	_ =	swait.ge [sflag:s8], $0xC000  }
0x14b: {  	[sflag:s8] =	ssyncset.done $0x0  }
0x14c: {  	[sflag:s8] =	ssyncadd.s32 $0xFFFF4000  }
0x14d: {  	v9 =	vld [tilespmem:$0x100];
	_ =	sdelay $0x4  }
0x14e: {  	v9 =	vmul.u32 $0xC00, v9;
	_ =	sdelay $0x1  }
0x14f: {  	v10 =	vperm.xlane v9, v3;
	_ =	sdelay $0x1  }
0x150: {  	v11 =	vperm.xlane v9, v5;
	v10 =	vadd.s32 v0, v10;
	_ =	sdelay $0x1  }
0x151: {  	v16 =	vperm.xlane v9, v7;
	v11 =	vadd.s32 v1, v11;
	_ =	sdelay $0x1  }
0x152: {  	v17 =	vperm.xlane v9, v4;
	v12 =	vadd.s32 v2, v16  }
0x153: {  	[tilespmem:s7], [sflag:$0x1] =	stream.indirect_vreg.gather [hbm4b:s4+s2], $0x80, v10, vm0, $0x38;
	[tilespmem:$0x18200] =	vst v63  }
0x154: {  	s11 =	simm.s32 $0xA00;
	v18 =	vperm.xlane v9, v6;
	v10 =	vadd.s32 v0, v17  }
0x155: {  	[tilespmem:s11], [sflag:$0x1] =	stream.indirect_vreg.gather [hbm4b:s4+s2], $0x80, v11, vm0, $0x38;
	[tilespmem:$0x18200] =	vst v63  }
0x156: {  	v9 =	vperm.xlane v9, v8;
	v11 =	vadd.s32 v1, v18;
	s11 =	simm.s32 $0x1200  }
0x157: {  	[tilespmem:s11], [sflag:$0x1] =	stream.indirect_vreg.gather [hbm4b:s4+s2], $0x80, v12, vm0, $0x38;
	[tilespmem:$0x18200] =	vst v63  }
0x158: {  	v9 =	vadd.s32 v2, v9;
	s11 =	simm.s32 $0x1A00  }
0x159: {  	[tilespmem:s11], [sflag:$0x1] =	stream.indirect_vreg.gather [hbm4b:s4+s2], $0x80, v10, vm0, $0x38;
	[tilespmem:$0x18200] =	vst v63  }
0x15a: {  	s11 =	simm.s32 $0x2200  }
0x15b: {  	[tilespmem:s11], [sflag:$0x1] =	stream.indirect_vreg.gather [hbm4b:s4+s2], $0x80, v11, vm0, $0x38;
	[tilespmem:$0x18200] =	vst v63  }
0x15c: {  	s11 =	simm.s32 $0x2A00  }
0x15d: {  	[tilespmem:s11], [sflag:$0x1] =	stream.indirect_vreg.gather [hbm4b:s4+s2], $0x80, v9, vm0, $0x38;
	[tilespmem:$0x18200] =	vst v63  }
0x15e: {  	v9 =	vld [tilespmem:$0x110];
	_ =	sdelay $0x4  }
0x15f: {  	v9 =	vmul.u32 $0xC00, v9;
	_ =	sdelay $0x1  }
0x160: {  	v10 =	vperm.xlane v9, v3;
	_ =	sdelay $0x1  }
0x161: {  	v11 =	vperm.xlane v9, v5;
	v10 =	vadd.s32 v0, v10;
	_ =	sdelay $0x1  }
0x162: {  	v19 =	vperm.xlane v9, v7;
	v11 =	vadd.s32 v1, v11;
	_ =	sdelay $0x1  }
0x163: {  	s11 =	simm.s32 $0x3200;
	v20 =	vperm.xlane v9, v4;
	v12 =	vadd.s32 v2, v19  }
0x164: {  	[tilespmem:s11], [sflag:$0x1] =	stream.indirect_vreg.gather [hbm4b:s4+s2], $0x80, v10, vm0, $0x38;
	[tilespmem:$0x18200] =	vst v63  }
0x165: {  	v21 =	vperm.xlane v9, v6;
	v10 =	vadd.s32 v0, v20;
	s11 =	simm.s32 $0x3A00  }
0x166: {  	[tilespmem:s11], [sflag:$0x1] =	stream.indirect_vreg.gather [hbm4b:s4+s2], $0x80, v11, vm0, $0x38;
	[tilespmem:$0x18200] =	vst v63  }
0x167: {  	v9 =	vperm.xlane v9, v8;
	v11 =	vadd.s32 v1, v21;
	s11 =	simm.s32 $0x4200  }
0x168: {  	[tilespmem:s11], [sflag:$0x1] =	stream.indirect_vreg.gather [hbm4b:s4+s2], $0x80, v12, vm0, $0x38;
	[tilespmem:$0x18200] =	vst v63  }
0x169: {  	v9 =	vadd.s32 v2, v9;
	s11 =	simm.s32 $0x4A00  }
0x16a: {  	[tilespmem:s11], [sflag:$0x1] =	stream.indirect_vreg.gather [hbm4b:s4+s2], $0x80, v10, vm0, $0x38;
	[tilespmem:$0x18200] =	vst v63  }
0x16b: {  	s11 =	simm.s32 $0x5200  }
0x16c: {  	[tilespmem:s11], [sflag:$0x1] =	stream.indirect_vreg.gather [hbm4b:s4+s2], $0x80, v11, vm0, $0x38;
	[tilespmem:$0x18200] =	vst v63  }
0x16d: {  	s11 =	simm.s32 $0x5A00  }
0x16e: {  	[tilespmem:s11], [sflag:$0x1] =	stream.indirect_vreg.gather [hbm4b:s4+s2], $0x80, v9, vm0, $0x38;
	[tilespmem:$0x18200] =	vst v63  }
0x16f: {  	v9 =	vld [tilespmem:$0x120];
	_ =	sdelay $0x4  }
0x170: {  	v9 =	vmul.u32 $0xC00, v9;
	_ =	sdelay $0x1  }
0x171: {  	v10 =	vperm.xlane v9, v3;
	_ =	sdelay $0x1  }
0x172: {  	v11 =	vperm.xlane v9, v5;
	v10 =	vadd.s32 v0, v10;
	_ =	sdelay $0x1  }
0x173: {  	v22 =	vperm.xlane v9, v7;
	v11 =	vadd.s32 v1, v11;
	_ =	sdelay $0x1  }
0x174: {  	s11 =	simm.s32 $0x6200;
	v23 =	vperm.xlane v9, v4;
	v12 =	vadd.s32 v2, v22  }
0x175: {  	[tilespmem:s11], [sflag:$0x1] =	stream.indirect_vreg.gather [hbm4b:s4+s2], $0x80, v10, vm0, $0x38;
	[tilespmem:$0x18200] =	vst v63  }
0x176: {  	v24 =	vperm.xlane v9, v6;
	v10 =	vadd.s32 v0, v23;
	s11 =	simm.s32 $0x6A00  }
0x177: {  	[tilespmem:s11], [sflag:$0x1] =	stream.indirect_vreg.gather [hbm4b:s4+s2], $0x80, v11, vm0, $0x38;
	[tilespmem:$0x18200] =	vst v63  }
0x178: {  	v9 =	vperm.xlane v9, v8;
	v11 =	vadd.s32 v1, v24;
	s11 =	simm.s32 $0x7200  }
0x179: {  	[tilespmem:s11], [sflag:$0x1] =	stream.indirect_vreg.gather [hbm4b:s4+s2], $0x80, v12, vm0, $0x38;
	[tilespmem:$0x18200] =	vst v63  }
0x17a: {  	v9 =	vadd.s32 v2, v9;
	s11 =	simm.s32 $0x7A00  }
0x17b: {  	[tilespmem:s11], [sflag:$0x1] =	stream.indirect_vreg.gather [hbm4b:s4+s2], $0x80, v10, vm0, $0x38;
	[tilespmem:$0x18200] =	vst v63  }
0x17c: {  	s11 =	simm.s32 $0x8200  }
0x17d: {  	[tilespmem:s11], [sflag:$0x1] =	stream.indirect_vreg.gather [hbm4b:s4+s2], $0x80, v11, vm0, $0x38;
	[tilespmem:$0x18200] =	vst v63  }
0x17e: {  	s11 =	simm.s32 $0x8A00  }
0x17f: {  	[tilespmem:s11], [sflag:$0x1] =	stream.indirect_vreg.gather [hbm4b:s4+s2], $0x80, v9, vm0, $0x38;
	[tilespmem:$0x18200] =	vst v63  }
0x180: {  	v9 =	vld [tilespmem:$0x130];
	_ =	sdelay $0x4  }
0x181: {  	v9 =	vmul.u32 $0xC00, v9;
	_ =	sdelay $0x1  }
0x182: {  	v10 =	vperm.xlane v9, v3;
	_ =	sdelay $0x1  }
0x183: {  	v11 =	vperm.xlane v9, v5;
	v10 =	vadd.s32 v0, v10;
	_ =	sdelay $0x1  }
0x184: {  	v25 =	vperm.xlane v9, v7;
	v11 =	vadd.s32 v1, v11;
	_ =	sdelay $0x1  }
0x185: {  	s11 =	simm.s32 $0x9200;
	v26 =	vperm.xlane v9, v4;
	v12 =	vadd.s32 v2, v25  }
0x186: {  	[tilespmem:s11], [sflag:$0x1] =	stream.indirect_vreg.gather [hbm4b:s4+s2], $0x80, v10, vm0, $0x38;
	[tilespmem:$0x18200] =	vst v63  }
0x187: {  	v27 =	vperm.xlane v9, v6;
	v10 =	vadd.s32 v0, v26;
	s11 =	simm.s32 $0x9A00  }
0x188: {  	[tilespmem:s11], [sflag:$0x1] =	stream.indirect_vreg.gather [hbm4b:s4+s2], $0x80, v11, vm0, $0x38;
	[tilespmem:$0x18200] =	vst v63  }
0x189: {  	v9 =	vperm.xlane v9, v8;
	v11 =	vadd.s32 v1, v27;
	s11 =	simm.s32 $0xA200  }
0x18a: {  	[tilespmem:s11], [sflag:$0x1] =	stream.indirect_vreg.gather [hbm4b:s4+s2], $0x80, v12, vm0, $0x38;
	[tilespmem:$0x18200] =	vst v63  }
0x18b: {  	v9 =	vadd.s32 v2, v9;
	s11 =	simm.s32 $0xAA00  }
0x18c: {  	[tilespmem:s11], [sflag:$0x1] =	stream.indirect_vreg.gather [hbm4b:s4+s2], $0x80, v10, vm0, $0x38;
	[tilespmem:$0x18200] =	vst v63  }
0x18d: {  	s11 =	simm.s32 $0xB200  }
0x18e: {  	[tilespmem:s11], [sflag:$0x1] =	stream.indirect_vreg.gather [hbm4b:s4+s2], $0x80, v11, vm0, $0x38;
	[tilespmem:$0x18200] =	vst v63  }
0x18f: {  	s11 =	simm.s32 $0xBA00  }
0x190: {  	[tilespmem:s11], [sflag:$0x1] =	stream.indirect_vreg.gather [hbm4b:s4+s2], $0x80, v9, vm0, $0x38;
	[tilespmem:$0x18200] =	vst v63  }
0x191: {  	s10 =	rddreg [dreg:$0x7]  }
0x192: {  	[hbm4b:s10+s6] =	stream.strided.scatter [tilespmem:s3], [sflag:$0x4], $0xC000, s7, s6, $0x38;
	[tilespmem:$0x18200] =	vst v63  }
0x193: {  	_ =	swait.ge [sflag:s0], $0xC000  }
0x194: {  	[sflag:s0] =	ssyncset.done $0x0  }
0x195: {  	[sflag:s0] =	ssyncadd.s32 $0xFFFF4000  }
0x196: {  	_ =	swait.ge [sflag:s9], $0xC000  }
0x197: {  	[sflag:s9] =	ssyncset.done $0x0  }
0x198: {  	[sflag:s9] =	ssyncadd.s32 $0xFFFF4000  }
0x199: {  	v9 =	vld [tilespmem:$0x140];
	_ =	sdelay $0x4  }
0x19a: {  	v9 =	vmul.u32 $0xC00, v9;
	_ =	sdelay $0x1  }
0x19b: {  	v10 =	vperm.xlane v9, v3;
	_ =	sdelay $0x1  }
0x19c: {  	v11 =	vperm.xlane v9, v5;
	v10 =	vadd.s32 v0, v10;
	_ =	sdelay $0x1  }
0x19d: {  	v28 =	vperm.xlane v9, v7;
	v11 =	vadd.s32 v1, v11;
	_ =	sdelay $0x1  }
0x19e: {  	v29 =	vperm.xlane v9, v4;
	v12 =	vadd.s32 v2, v28  }
0x19f: {  	[tilespmem:s3], [sflag:$0x2] =	stream.indirect_vreg.gather [hbm4b:s4+s2], $0x80, v10, vm0, $0x38;
	[tilespmem:$0x18200] =	vst v63  }
0x1a0: {  	s19 =	simm.s32 $0xCA00;
	v30 =	vperm.xlane v9, v6;
	v10 =	vadd.s32 v0, v29  }
0x1a1: {  	[tilespmem:s19], [sflag:$0x2] =	stream.indirect_vreg.gather [hbm4b:s4+s2], $0x80, v11, vm0, $0x38;
	[tilespmem:$0x18200] =	vst v63  }
0x1a2: {  	s20 =	simm.s32 $0xD200;
	v9 =	vperm.xlane v9, v8;
	v11 =	vadd.s32 v1, v30  }
0x1a3: {  	[tilespmem:s20], [sflag:$0x2] =	stream.indirect_vreg.gather [hbm4b:s4+s2], $0x80, v12, vm0, $0x38;
	[tilespmem:$0x18200] =	vst v63  }
0x1a4: {  	s12 =	simm.s32 $0xDA00;
	v9 =	vadd.s32 v2, v9  }
0x1a5: {  	[tilespmem:s12], [sflag:$0x2] =	stream.indirect_vreg.gather [hbm4b:s4+s2], $0x80, v10, vm0, $0x38;
	[tilespmem:$0x18200] =	vst v63  }
0x1a6: {  	s11 =	simm.s32 $0xE200  }
0x1a7: {  	[tilespmem:s11], [sflag:$0x2] =	stream.indirect_vreg.gather [hbm4b:s4+s2], $0x80, v11, vm0, $0x38;
	[tilespmem:$0x18200] =	vst v63  }
0x1a8: {  	s21 =	simm.s32 $0xEA00  }
0x1a9: {  	[tilespmem:s21], [sflag:$0x2] =	stream.indirect_vreg.gather [hbm4b:s4+s2], $0x80, v9, vm0, $0x38;
	[tilespmem:$0x18200] =	vst v63  }
0x1aa: {  	v9 =	vld [tilespmem:$0x150];
	_ =	sdelay $0x4  }
0x1ab: {  	v9 =	vmul.u32 $0xC00, v9;
	_ =	sdelay $0x1  }
0x1ac: {  	v10 =	vperm.xlane v9, v3;
	_ =	sdelay $0x1  }
0x1ad: {  	v11 =	vperm.xlane v9, v5;
	v10 =	vadd.s32 v0, v10;
	_ =	sdelay $0x1  }
0x1ae: {  	v31 =	vperm.xlane v9, v7;
	v11 =	vadd.s32 v1, v11;
	_ =	sdelay $0x1  }
0x1af: {  	s25 =	simm.s32 $0xF200;
	v32 =	vperm.xlane v9, v4;
	v12 =	vadd.s32 v2, v31  }
0x1b0: {  	[tilespmem:s25], [sflag:$0x2] =	stream.indirect_vreg.gather [hbm4b:s4+s2], $0x80, v10, vm0, $0x38;
	[tilespmem:$0x18200] =	vst v63  }
0x1b1: {  	s22 =	simm.s32 $0xFA00;
	v33 =	vperm.xlane v9, v6;
	v10 =	vadd.s32 v0, v32  }
0x1b2: {  	[tilespmem:s22], [sflag:$0x2] =	stream.indirect_vreg.gather [hbm4b:s4+s2], $0x80, v11, vm0, $0x38;
	[tilespmem:$0x18200] =	vst v63  }
0x1b3: {  	s23 =	simm.s32 $0x10200;
	v9 =	vperm.xlane v9, v8;
	v11 =	vadd.s32 v1, v33  }
0x1b4: {  	[tilespmem:s23], [sflag:$0x2] =	stream.indirect_vreg.gather [hbm4b:s4+s2], $0x80, v12, vm0, $0x38;
	[tilespmem:$0x18200] =	vst v63  }
0x1b5: {  	s13 =	simm.s32 $0x10A00;
	v9 =	vadd.s32 v2, v9  }
0x1b6: {  	[tilespmem:s13], [sflag:$0x2] =	stream.indirect_vreg.gather [hbm4b:s4+s2], $0x80, v10, vm0, $0x38;
	[tilespmem:$0x18200] =	vst v63  }
0x1b7: {  	s14 =	simm.s32 $0x11200  }
0x1b8: {  	[tilespmem:s14], [sflag:$0x2] =	stream.indirect_vreg.gather [hbm4b:s4+s2], $0x80, v11, vm0, $0x38;
	[tilespmem:$0x18200] =	vst v63  }
0x1b9: {  	s29 =	simm.s32 $0x11A00  }
0x1ba: {  	[tilespmem:s29], [sflag:$0x2] =	stream.indirect_vreg.gather [hbm4b:s4+s2], $0x80, v9, vm0, $0x38;
	[tilespmem:$0x18200] =	vst v63  }
0x1bb: {  	v9 =	vld [tilespmem:$0x160];
	_ =	sdelay $0x4  }
0x1bc: {  	v9 =	vmul.u32 $0xC00, v9;
	_ =	sdelay $0x1  }
0x1bd: {  	v10 =	vperm.xlane v9, v3;
	_ =	sdelay $0x1  }
0x1be: {  	v11 =	vperm.xlane v9, v5;
	v10 =	vadd.s32 v0, v10;
	_ =	sdelay $0x1  }
0x1bf: {  	v34 =	vperm.xlane v9, v7;
	v11 =	vadd.s32 v1, v11;
	_ =	sdelay $0x1  }
0x1c0: {  	s30 =	simm.s32 $0x12200;
	v35 =	vperm.xlane v9, v4;
	v12 =	vadd.s32 v2, v34  }
0x1c1: {  	[tilespmem:s30], [sflag:$0x2] =	stream.indirect_vreg.gather [hbm4b:s4+s2], $0x80, v10, vm0, $0x38;
	[tilespmem:$0x18200] =	vst v63  }
0x1c2: {  	s24 =	simm.s32 $0x12A00;
	v36 =	vperm.xlane v9, v6;
	v10 =	vadd.s32 v0, v35  }
0x1c3: {  	[tilespmem:s24], [sflag:$0x2] =	stream.indirect_vreg.gather [hbm4b:s4+s2], $0x80, v11, vm0, $0x38;
	[tilespmem:$0x18200] =	vst v63  }
0x1c4: {  	s26 =	simm.s32 $0x13200;
	v9 =	vperm.xlane v9, v8;
	v11 =	vadd.s32 v1, v36  }
0x1c5: {  	[tilespmem:s26], [sflag:$0x2] =	stream.indirect_vreg.gather [hbm4b:s4+s2], $0x80, v12, vm0, $0x38;
	[tilespmem:$0x18200] =	vst v63  }
0x1c6: {  	s15 =	simm.s32 $0x13A00;
	v9 =	vadd.s32 v2, v9  }
0x1c7: {  	[tilespmem:s15], [sflag:$0x2] =	stream.indirect_vreg.gather [hbm4b:s4+s2], $0x80, v10, vm0, $0x38;
	[tilespmem:$0x18200] =	vst v63  }
0x1c8: {  	s16 =	simm.s32 $0x14200  }
0x1c9: {  	[tilespmem:s16], [sflag:$0x2] =	stream.indirect_vreg.gather [hbm4b:s4+s2], $0x80, v11, vm0, $0x38;
	[tilespmem:$0x18200] =	vst v63  }
0x1ca: {  	s28 =	simm.s32 $0x14A00  }
0x1cb: {  	[tilespmem:s28], [sflag:$0x2] =	stream.indirect_vreg.gather [hbm4b:s4+s2], $0x80, v9, vm0, $0x38;
	[tilespmem:$0x18200] =	vst v63  }
0x1cc: {  	v9 =	vld [tilespmem:$0x170];
	_ =	sdelay $0x4  }
0x1cd: {  	v9 =	vmul.u32 $0xC00, v9;
	_ =	sdelay $0x1  }
0x1ce: {  	v10 =	vperm.xlane v9, v3;
	_ =	sdelay $0x1  }
0x1cf: {  	v11 =	vperm.xlane v9, v5;
	v10 =	vadd.s32 v0, v10;
	_ =	sdelay $0x1  }
0x1d0: {  	v37 =	vperm.xlane v9, v7;
	v11 =	vadd.s32 v1, v11;
	_ =	sdelay $0x1  }
0x1d1: {  	s31 =	simm.s32 $0x15200;
	v38 =	vperm.xlane v9, v4;
	v12 =	vadd.s32 v2, v37  }
0x1d2: {  	[tilespmem:s31], [sflag:$0x2] =	stream.indirect_vreg.gather [hbm4b:s4+s2], $0x80, v10, vm0, $0x38;
	[tilespmem:$0x18200] =	vst v63  }
0x1d3: {  	s11 =	simm.s32 $0x15A00;
	v39 =	vperm.xlane v9, v6;
	v10 =	vadd.s32 v0, v38  }
0x1d4: {  	[tilespmem:s11], [sflag:$0x2] =	stream.indirect_vreg.gather [hbm4b:s4+s2], $0x80, v11, vm0, $0x38;
	[tilespmem:$0x18200] =	vst v63  }
0x1d5: {  	v9 =	vperm.xlane v9, v8;
	v11 =	vadd.s32 v1, v39;
	s11 =	simm.s32 $0x16200  }
0x1d6: {  	[tilespmem:s11], [sflag:$0x2] =	stream.indirect_vreg.gather [hbm4b:s4+s2], $0x80, v12, vm0, $0x38;
	[tilespmem:$0x18200] =	vst v63  }
0x1d7: {  	s17 =	simm.s32 $0x16A00;
	v9 =	vadd.s32 v2, v9  }
0x1d8: {  	[tilespmem:s17], [sflag:$0x2] =	stream.indirect_vreg.gather [hbm4b:s4+s2], $0x80, v10, vm0, $0x38;
	[tilespmem:$0x18200] =	vst v63  }
0x1d9: {  	s18 =	simm.s32 $0x17200  }
0x1da: {  	[tilespmem:s18], [sflag:$0x2] =	stream.indirect_vreg.gather [hbm4b:s4+s2], $0x80, v11, vm0, $0x38;
	[tilespmem:$0x18200] =	vst v63  }
0x1db: {  	s11 =	simm.s32 $0x17A00  }
0x1dc: {  	[tilespmem:s11], [sflag:$0x2] =	stream.indirect_vreg.gather [hbm4b:s4+s2], $0x80, v9, vm0, $0x38;
	[tilespmem:$0x18200] =	vst v63  }
0x1dd: {  	s10 =	rddreg [dreg:$0x8]  }
0x1de: {  	[hbm4b:s10+s6] =	stream.strided.scatter [tilespmem:s7], [sflag:$0x3], $0xC000, s7, s6, $0x38;
	[tilespmem:$0x18200] =	vst v63  }
0x1df: {  	_ =	swait.ge [sflag:s1], $0xC000  }
0x1e0: {  	[sflag:s1] =	ssyncset.done $0x0  }
0x1e1: {  	[sflag:s1] =	ssyncadd.s32 $0xFFFF4000  }
0x1e2: {  	_ =	swait.ge [sflag:s8], $0xC000  }
0x1e3: {  	[sflag:s8] =	ssyncset.done $0x0  }
0x1e4: {  	[sflag:s8] =	ssyncadd.s32 $0xFFFF4000  }
0x1e5: {  	v9 =	vld [tilespmem:$0x180];
	_ =	sdelay $0x4  }
0x1e6: {  	v9 =	vmul.u32 $0xC00, v9;
	_ =	sdelay $0x1  }
0x1e7: {  	v10 =	vperm.xlane v9, v3;
	_ =	sdelay $0x1  }
0x1e8: {  	v11 =	vperm.xlane v9, v5;
	v10 =	vadd.s32 v0, v10;
	_ =	sdelay $0x1  }
0x1e9: {  	v40 =	vperm.xlane v9, v7;
	v11 =	vadd.s32 v1, v11;
	_ =	sdelay $0x1  }
0x1ea: {  	v41 =	vperm.xlane v9, v4;
	v12 =	vadd.s32 v2, v40  }
0x1eb: {  	[tilespmem:s7], [sflag:$0x1] =	stream.indirect_vreg.gather [hbm4b:s4+s2], $0x80, v10, vm0, $0x38;
	[tilespmem:$0x18200] =	vst v63  }
0x1ec: {  	s11 =	simm.s32 $0xA00;
	v42 =	vperm.xlane v9, v6;
	v10 =	vadd.s32 v0, v41  }
0x1ed: {  	[tilespmem:s11], [sflag:$0x1] =	stream.indirect_vreg.gather [hbm4b:s4+s2], $0x80, v11, vm0, $0x38;
	[tilespmem:$0x18200] =	vst v63  }
0x1ee: {  	v9 =	vperm.xlane v9, v8;
	v11 =	vadd.s32 v1, v42;
	s11 =	simm.s32 $0x1200  }
0x1ef: {  	[tilespmem:s11], [sflag:$0x1] =	stream.indirect_vreg.gather [hbm4b:s4+s2], $0x80, v12, vm0, $0x38;
	[tilespmem:$0x18200] =	vst v63  }
0x1f0: {  	v9 =	vadd.s32 v2, v9;
	s11 =	simm.s32 $0x1A00  }
0x1f1: {  	[tilespmem:s11], [sflag:$0x1] =	stream.indirect_vreg.gather [hbm4b:s4+s2], $0x80, v10, vm0, $0x38;
	[tilespmem:$0x18200] =	vst v63  }
0x1f2: {  	s11 =	simm.s32 $0x2200  }
0x1f3: {  	[tilespmem:s11], [sflag:$0x1] =	stream.indirect_vreg.gather [hbm4b:s4+s2], $0x80, v11, vm0, $0x38;
	[tilespmem:$0x18200] =	vst v63  }
0x1f4: {  	s11 =	simm.s32 $0x2A00  }
0x1f5: {  	[tilespmem:s11], [sflag:$0x1] =	stream.indirect_vreg.gather [hbm4b:s4+s2], $0x80, v9, vm0, $0x38;
	[tilespmem:$0x18200] =	vst v63  }
0x1f6: {  	v9 =	vld [tilespmem:$0x190];
	_ =	sdelay $0x4  }
0x1f7: {  	v9 =	vmul.u32 $0xC00, v9;
	_ =	sdelay $0x1  }
0x1f8: {  	v10 =	vperm.xlane v9, v3;
	_ =	sdelay $0x1  }
0x1f9: {  	v11 =	vperm.xlane v9, v5;
	v10 =	vadd.s32 v0, v10;
	_ =	sdelay $0x1  }
0x1fa: {  	v43 =	vperm.xlane v9, v7;
	v11 =	vadd.s32 v1, v11;
	_ =	sdelay $0x1  }
0x1fb: {  	s11 =	simm.s32 $0x3200;
	v44 =	vperm.xlane v9, v4;
	v12 =	vadd.s32 v2, v43  }
0x1fc: {  	[tilespmem:s11], [sflag:$0x1] =	stream.indirect_vreg.gather [hbm4b:s4+s2], $0x80, v10, vm0, $0x38;
	[tilespmem:$0x18200] =	vst v63  }
0x1fd: {  	v45 =	vperm.xlane v9, v6;
	v10 =	vadd.s32 v0, v44;
	s11 =	simm.s32 $0x3A00  }
0x1fe: {  	[tilespmem:s11], [sflag:$0x1] =	stream.indirect_vreg.gather [hbm4b:s4+s2], $0x80, v11, vm0, $0x38;
	[tilespmem:$0x18200] =	vst v63  }
0x1ff: {  	v9 =	vperm.xlane v9, v8;
	v11 =	vadd.s32 v1, v45;
	s11 =	simm.s32 $0x4200  }
0x200: {  	[tilespmem:s11], [sflag:$0x1] =	stream.indirect_vreg.gather [hbm4b:s4+s2], $0x80, v12, vm0, $0x38;
	[tilespmem:$0x18200] =	vst v63  }
0x201: {  	v9 =	vadd.s32 v2, v9;
	s11 =	simm.s32 $0x4A00  }
0x202: {  	[tilespmem:s11], [sflag:$0x1] =	stream.indirect_vreg.gather [hbm4b:s4+s2], $0x80, v10, vm0, $0x38;
	[tilespmem:$0x18200] =	vst v63  }
0x203: {  	s11 =	simm.s32 $0x5200  }
0x204: {  	[tilespmem:s11], [sflag:$0x1] =	stream.indirect_vreg.gather [hbm4b:s4+s2], $0x80, v11, vm0, $0x38;
	[tilespmem:$0x18200] =	vst v63  }
0x205: {  	s11 =	simm.s32 $0x5A00  }
0x206: {  	[tilespmem:s11], [sflag:$0x1] =	stream.indirect_vreg.gather [hbm4b:s4+s2], $0x80, v9, vm0, $0x38;
	[tilespmem:$0x18200] =	vst v63  }
0x207: {  	v9 =	vld [tilespmem:$0x1A0];
	_ =	sdelay $0x4  }
0x208: {  	v9 =	vmul.u32 $0xC00, v9;
	_ =	sdelay $0x1  }
0x209: {  	v10 =	vperm.xlane v9, v3;
	_ =	sdelay $0x1  }
0x20a: {  	v11 =	vperm.xlane v9, v5;
	v10 =	vadd.s32 v0, v10;
	_ =	sdelay $0x1  }
0x20b: {  	v46 =	vperm.xlane v9, v7;
	v11 =	vadd.s32 v1, v11;
	_ =	sdelay $0x1  }
0x20c: {  	s11 =	simm.s32 $0x6200;
	v47 =	vperm.xlane v9, v4;
	v12 =	vadd.s32 v2, v46  }
0x20d: {  	[tilespmem:s11], [sflag:$0x1] =	stream.indirect_vreg.gather [hbm4b:s4+s2], $0x80, v10, vm0, $0x38;
	[tilespmem:$0x18200] =	vst v63  }
0x20e: {  	v48 =	vperm.xlane v9, v6;
	v10 =	vadd.s32 v0, v47;
	s11 =	simm.s32 $0x6A00  }
0x20f: {  	[tilespmem:s11], [sflag:$0x1] =	stream.indirect_vreg.gather [hbm4b:s4+s2], $0x80, v11, vm0, $0x38;
	[tilespmem:$0x18200] =	vst v63  }
0x210: {  	v9 =	vperm.xlane v9, v8;
	v11 =	vadd.s32 v1, v48;
	s11 =	simm.s32 $0x7200  }
0x211: {  	[tilespmem:s11], [sflag:$0x1] =	stream.indirect_vreg.gather [hbm4b:s4+s2], $0x80, v12, vm0, $0x38;
	[tilespmem:$0x18200] =	vst v63  }
0x212: {  	v9 =	vadd.s32 v2, v9;
	s11 =	simm.s32 $0x7A00  }
0x213: {  	[tilespmem:s11], [sflag:$0x1] =	stream.indirect_vreg.gather [hbm4b:s4+s2], $0x80, v10, vm0, $0x38;
	[tilespmem:$0x18200] =	vst v63  }
0x214: {  	s11 =	simm.s32 $0x8200  }
0x215: {  	[tilespmem:s11], [sflag:$0x1] =	stream.indirect_vreg.gather [hbm4b:s4+s2], $0x80, v11, vm0, $0x38;
	[tilespmem:$0x18200] =	vst v63  }
0x216: {  	s11 =	simm.s32 $0x8A00  }
0x217: {  	[tilespmem:s11], [sflag:$0x1] =	stream.indirect_vreg.gather [hbm4b:s4+s2], $0x80, v9, vm0, $0x38;
	[tilespmem:$0x18200] =	vst v63  }
0x218: {  	v9 =	vld [tilespmem:$0x1B0];
	_ =	sdelay $0x4  }
0x219: {  	v9 =	vmul.u32 $0xC00, v9;
	_ =	sdelay $0x1  }
0x21a: {  	v10 =	vperm.xlane v9, v3;
	_ =	sdelay $0x1  }
0x21b: {  	v11 =	vperm.xlane v9, v5;
	v10 =	vadd.s32 v0, v10;
	_ =	sdelay $0x1  }
0x21c: {  	v49 =	vperm.xlane v9, v7;
	v11 =	vadd.s32 v1, v11;
	_ =	sdelay $0x1  }
0x21d: {  	s11 =	simm.s32 $0x9200;
	v50 =	vperm.xlane v9, v4;
	v12 =	vadd.s32 v2, v49  }
0x21e: {  	[tilespmem:s11], [sflag:$0x1] =	stream.indirect_vreg.gather [hbm4b:s4+s2], $0x80, v10, vm0, $0x38;
	[tilespmem:$0x18200] =	vst v63  }
0x21f: {  	v51 =	vperm.xlane v9, v6;
	v10 =	vadd.s32 v0, v50;
	s11 =	simm.s32 $0x9A00  }
0x220: {  	[tilespmem:s11], [sflag:$0x1] =	stream.indirect_vreg.gather [hbm4b:s4+s2], $0x80, v11, vm0, $0x38;
	[tilespmem:$0x18200] =	vst v63  }
0x221: {  	v9 =	vperm.xlane v9, v8;
	v11 =	vadd.s32 v1, v51;
	s11 =	simm.s32 $0xA200  }
0x222: {  	[tilespmem:s11], [sflag:$0x1] =	stream.indirect_vreg.gather [hbm4b:s4+s2], $0x80, v12, vm0, $0x38;
	[tilespmem:$0x18200] =	vst v63  }
0x223: {  	v9 =	vadd.s32 v2, v9;
	s11 =	simm.s32 $0xAA00  }
0x224: {  	[tilespmem:s11], [sflag:$0x1] =	stream.indirect_vreg.gather [hbm4b:s4+s2], $0x80, v10, vm0, $0x38;
	[tilespmem:$0x18200] =	vst v63  }
0x225: {  	s11 =	simm.s32 $0xB200  }
0x226: {  	[tilespmem:s11], [sflag:$0x1] =	stream.indirect_vreg.gather [hbm4b:s4+s2], $0x80, v11, vm0, $0x38;
	[tilespmem:$0x18200] =	vst v63  }
0x227: {  	s11 =	simm.s32 $0xBA00  }
0x228: {  	[tilespmem:s11], [sflag:$0x1] =	stream.indirect_vreg.gather [hbm4b:s4+s2], $0x80, v9, vm0, $0x38;
	[tilespmem:$0x18200] =	vst v63  }
0x229: {  	s10 =	rddreg [dreg:$0x9]  }
0x22a: {  	[hbm4b:s10+s6] =	stream.strided.scatter [tilespmem:s3], [sflag:$0x4], $0xC000, s7, s6, $0x38;
	[tilespmem:$0x18200] =	vst v63  }
0x22b: {  	_ =	swait.ge [sflag:s0], $0xC000  }
0x22c: {  	[sflag:s0] =	ssyncset.done $0x0  }
0x22d: {  	[sflag:s0] =	ssyncadd.s32 $0xFFFF4000  }
0x22e: {  	_ =	swait.ge [sflag:s9], $0xC000  }
0x22f: {  	[sflag:s9] =	ssyncset.done $0x0  }
0x230: {  	[sflag:s9] =	ssyncadd.s32 $0xFFFF4000  }
0x231: {  	v9 =	vld [tilespmem:$0x1C0];
	_ =	sdelay $0x4  }
0x232: {  	v9 =	vmul.u32 $0xC00, v9;
	_ =	sdelay $0x1  }
0x233: {  	v10 =	vperm.xlane v9, v3;
	_ =	sdelay $0x1  }
0x234: {  	v11 =	vperm.xlane v9, v5;
	v10 =	vadd.s32 v0, v10;
	_ =	sdelay $0x1  }
0x235: {  	v52 =	vperm.xlane v9, v7;
	v11 =	vadd.s32 v1, v11;
	_ =	sdelay $0x1  }
0x236: {  	v53 =	vperm.xlane v9, v4;
	v12 =	vadd.s32 v2, v52  }
0x237: {  	[tilespmem:s3], [sflag:$0x2] =	stream.indirect_vreg.gather [hbm4b:s4+s2], $0x80, v10, vm0, $0x38;
	[tilespmem:$0x18200] =	vst v63  }
0x238: {  	s19 =	simm.s32 $0xCA00;
	v54 =	vperm.xlane v9, v6;
	v10 =	vadd.s32 v0, v53  }
0x239: {  	[tilespmem:s19], [sflag:$0x2] =	stream.indirect_vreg.gather [hbm4b:s4+s2], $0x80, v11, vm0, $0x38;
	[tilespmem:$0x18200] =	vst v63  }
0x23a: {  	s20 =	simm.s32 $0xD200;
	v9 =	vperm.xlane v9, v8;
	v11 =	vadd.s32 v1, v54  }
0x23b: {  	[tilespmem:s20], [sflag:$0x2] =	stream.indirect_vreg.gather [hbm4b:s4+s2], $0x80, v12, vm0, $0x38;
	[tilespmem:$0x18200] =	vst v63  }
0x23c: {  	s12 =	simm.s32 $0xDA00;
	v9 =	vadd.s32 v2, v9  }
0x23d: {  	[tilespmem:s12], [sflag:$0x2] =	stream.indirect_vreg.gather [hbm4b:s4+s2], $0x80, v10, vm0, $0x38;
	[tilespmem:$0x18200] =	vst v63  }
0x23e: {  	s20 =	simm.s32 $0xE200  }
0x23f: {  	[tilespmem:s20], [sflag:$0x2] =	stream.indirect_vreg.gather [hbm4b:s4+s2], $0x80, v11, vm0, $0x38;
	[tilespmem:$0x18200] =	vst v63  }
0x240: {  	s21 =	simm.s32 $0xEA00  }
0x241: {  	[tilespmem:s21], [sflag:$0x2] =	stream.indirect_vreg.gather [hbm4b:s4+s2], $0x80, v9, vm0, $0x38;
	[tilespmem:$0x18200] =	vst v63  }
0x242: {  	v9 =	vld [tilespmem:$0x1D0];
	_ =	sdelay $0x4  }
0x243: {  	v9 =	vmul.u32 $0xC00, v9;
	_ =	sdelay $0x1  }
0x244: {  	v10 =	vperm.xlane v9, v3;
	_ =	sdelay $0x1  }
0x245: {  	v11 =	vperm.xlane v9, v5;
	v10 =	vadd.s32 v0, v10;
	_ =	sdelay $0x1  }
0x246: {  	v55 =	vperm.xlane v9, v7;
	v11 =	vadd.s32 v1, v11;
	_ =	sdelay $0x1  }
0x247: {  	s25 =	simm.s32 $0xF200;
	v56 =	vperm.xlane v9, v4;
	v12 =	vadd.s32 v2, v55  }
0x248: {  	[tilespmem:s25], [sflag:$0x2] =	stream.indirect_vreg.gather [hbm4b:s4+s2], $0x80, v10, vm0, $0x38;
	[tilespmem:$0x18200] =	vst v63  }
0x249: {  	s22 =	simm.s32 $0xFA00;
	v57 =	vperm.xlane v9, v6;
	v10 =	vadd.s32 v0, v56  }
0x24a: {  	[tilespmem:s22], [sflag:$0x2] =	stream.indirect_vreg.gather [hbm4b:s4+s2], $0x80, v11, vm0, $0x38;
	[tilespmem:$0x18200] =	vst v63  }
0x24b: {  	s23 =	simm.s32 $0x10200;
	v9 =	vperm.xlane v9, v8;
	v11 =	vadd.s32 v1, v57  }
0x24c: {  	[tilespmem:s23], [sflag:$0x2] =	stream.indirect_vreg.gather [hbm4b:s4+s2], $0x80, v12, vm0, $0x38;
	[tilespmem:$0x18200] =	vst v63  }
0x24d: {  	s13 =	simm.s32 $0x10A00;
	v9 =	vadd.s32 v2, v9  }
0x24e: {  	[tilespmem:s13], [sflag:$0x2] =	stream.indirect_vreg.gather [hbm4b:s4+s2], $0x80, v10, vm0, $0x38;
	[tilespmem:$0x18200] =	vst v63  }
0x24f: {  	s14 =	simm.s32 $0x11200  }
0x250: {  	[tilespmem:s14], [sflag:$0x2] =	stream.indirect_vreg.gather [hbm4b:s4+s2], $0x80, v11, vm0, $0x38;
	[tilespmem:$0x18200] =	vst v63  }
0x251: {  	s29 =	simm.s32 $0x11A00  }
0x252: {  	[tilespmem:s29], [sflag:$0x2] =	stream.indirect_vreg.gather [hbm4b:s4+s2], $0x80, v9, vm0, $0x38;
	[tilespmem:$0x18200] =	vst v63  }
0x253: {  	v9 =	vld [tilespmem:$0x1E0];
	_ =	sdelay $0x4  }
0x254: {  	v9 =	vmul.u32 $0xC00, v9;
	_ =	sdelay $0x1  }
0x255: {  	v10 =	vperm.xlane v9, v3;
	_ =	sdelay $0x1  }
0x256: {  	v11 =	vperm.xlane v9, v5;
	v10 =	vadd.s32 v0, v10;
	_ =	sdelay $0x1  }
0x257: {  	v58 =	vperm.xlane v9, v7;
	v11 =	vadd.s32 v1, v11;
	_ =	sdelay $0x1  }
0x258: {  	s30 =	simm.s32 $0x12200;
	v59 =	vperm.xlane v9, v4;
	v12 =	vadd.s32 v2, v58  }
0x259: {  	[tilespmem:s30], [sflag:$0x2] =	stream.indirect_vreg.gather [hbm4b:s4+s2], $0x80, v10, vm0, $0x38;
	[tilespmem:$0x18200] =	vst v63  }
0x25a: {  	s24 =	simm.s32 $0x12A00;
	v60 =	vperm.xlane v9, v6;
	v10 =	vadd.s32 v0, v59  }
0x25b: {  	[tilespmem:s24], [sflag:$0x2] =	stream.indirect_vreg.gather [hbm4b:s4+s2], $0x80, v11, vm0, $0x38;
	[tilespmem:$0x18200] =	vst v63  }
0x25c: {  	s26 =	simm.s32 $0x13200;
	v9 =	vperm.xlane v9, v8;
	v11 =	vadd.s32 v1, v60  }
0x25d: {  	[tilespmem:s26], [sflag:$0x2] =	stream.indirect_vreg.gather [hbm4b:s4+s2], $0x80, v12, vm0, $0x38;
	[tilespmem:$0x18200] =	vst v63  }
0x25e: {  	s15 =	simm.s32 $0x13A00;
	v9 =	vadd.s32 v2, v9  }
0x25f: {  	[tilespmem:s15], [sflag:$0x2] =	stream.indirect_vreg.gather [hbm4b:s4+s2], $0x80, v10, vm0, $0x38;
	[tilespmem:$0x18200] =	vst v63  }
0x260: {  	s16 =	simm.s32 $0x14200  }
0x261: {  	[tilespmem:s16], [sflag:$0x2] =	stream.indirect_vreg.gather [hbm4b:s4+s2], $0x80, v11, vm0, $0x38;
	[tilespmem:$0x18200] =	vst v63  }
0x262: {  	s28 =	simm.s32 $0x14A00  }
0x263: {  	[tilespmem:s28], [sflag:$0x2] =	stream.indirect_vreg.gather [hbm4b:s4+s2], $0x80, v9, vm0, $0x38;
	[tilespmem:$0x18200] =	vst v63  }
0x264: {  	v9 =	vld [tilespmem:$0x1F0];
	_ =	sdelay $0x4  }
0x265: {  	v9 =	vmul.u32 $0xC00, v9;
	_ =	sdelay $0x1  }
0x266: {  	v10 =	vperm.xlane v9, v3;
	_ =	sdelay $0x1  }
0x267: {  	v11 =	vperm.xlane v9, v5;
	v10 =	vadd.s32 v0, v10;
	_ =	sdelay $0x1  }
0x268: {  	v61 =	vperm.xlane v9, v7;
	v11 =	vadd.s32 v1, v11;
	_ =	sdelay $0x1  }
0x269: {  	s31 =	simm.s32 $0x15200;
	v62 =	vperm.xlane v9, v4;
	v12 =	vadd.s32 v2, v61  }
0x26a: {  	[tilespmem:s31], [sflag:$0x2] =	stream.indirect_vreg.gather [hbm4b:s4+s2], $0x80, v10, vm0, $0x38;
	[tilespmem:$0x18200] =	vst v63  }
0x26b: {  	s26 =	simm.s32 $0x15A00;
	v63 =	vperm.xlane v9, v6;
	v10 =	vadd.s32 v0, v62  }
0x26c: {  	[tilespmem:s26], [sflag:$0x2] =	stream.indirect_vreg.gather [hbm4b:s4+s2], $0x80, v11, vm0, $0x38;
	[tilespmem:$0x18200] =	vst v63  }
0x26d: {  	s28 =	simm.s32 $0x16200;
	v9 =	vperm.xlane v9, v8;
	v11 =	vadd.s32 v1, v63  }
0x26e: {  	[tilespmem:s28], [sflag:$0x2] =	stream.indirect_vreg.gather [hbm4b:s4+s2], $0x80, v12, vm0, $0x38;
	[tilespmem:$0x18200] =	vst v63  }
0x26f: {  	s17 =	simm.s32 $0x16A00;
	v9 =	vadd.s32 v2, v9  }
0x270: {  	[tilespmem:s17], [sflag:$0x2] =	stream.indirect_vreg.gather [hbm4b:s4+s2], $0x80, v10, vm0, $0x38;
	[tilespmem:$0x18200] =	vst v63  }
0x271: {  	s18 =	simm.s32 $0x17200  }
0x272: {  	[tilespmem:s18], [sflag:$0x2] =	stream.indirect_vreg.gather [hbm4b:s4+s2], $0x80, v11, vm0, $0x38;
	[tilespmem:$0x18200] =	vst v63  }
0x273: {  	s30 =	simm.s32 $0x17A00  }
0x274: {  	[tilespmem:s30], [sflag:$0x2] =	stream.indirect_vreg.gather [hbm4b:s4+s2], $0x80, v9, vm0, $0x38;
	[tilespmem:$0x18200] =	vst v63  }
0x275: {  	s29 =	rddreg [dreg:$0xa]  }
0x276: {  	[hbm4b:s29+s6] =	stream.strided.scatter [tilespmem:s7], [sflag:$0x3], $0xC000, s7, s6, $0x38;
	[tilespmem:$0x18200] =	vst v63  }
0x277: {  	_ =	swait.ge [sflag:s1], $0xC000  }
0x278: {  	[sflag:s1] =	ssyncset.done $0x0  }
0x279: {  	s31 =	rddreg [dreg:$0xb];
	[sflag:s1] =	ssyncadd.s32 $0xFFFF4000  }
0x27a: {  	[hbm4b:s31+s6] =	stream.strided.scatter [tilespmem:s3], [sflag:$0x4], $0xC000, s7, s6, $0x38;
	[tilespmem:$0x18200] =	vst v63  }
0x27b: {  	p0 =	sne.s32 s5, $0x1;
	_ =	swait.ge [sflag:s8], $0xC000  }
.Ltmp0:
0x27c: {  	[sflag:s8] =	ssyncset.done $0x0;
	(pc) =	sbr.rel @p0 .LBB2_1-.Ltmp0, $4  }
0x27d: {  	[sflag:s8] =	ssyncadd.s32 $0xFFFF4000  }
0x27e: {  	_ =	swait.ge [sflag:s9], $0xC000  }
0x27f: {  	[sflag:s9] =	ssyncset.done $0x0  }
0x280: {  	s5 =	sadd.s32 $0xFFFFFFFF, s5;
	[sflag:s9] =	ssyncadd.s32 $0xFFFF4000  }
0x281: {  	_ =	sfence.sel $0x180000  }
0x282: {  	[bflag:$0x0] =	sbarrier.arrive $0xFFFF  }
0x283: {  	_ =	strace $0x90000047  }
0x284: {  	s0 =	stileid.u32;
	[bflag:$0x2] =	sbarrier.arrive $0xFFFF  }
0x285: {  	p0 =	sne.s32 s0, $0x0;
	s0 =	rddreg [dreg:$0x3]  }
0x286: {  	s0 =	sadd.s32 @!p0 $0x100000, s0  }
0x287: {  	[sflag:s0] =	ssyncadd.tile.s32 @!p0 $0x1;
	_ =	shalt  }
.Lfunc_end2:
_tile_overlayer_lowered:
.L_overlay_start_2:
0x288: {  	(tag) =	ssettag $0x2  }
0x289: {  	s0 =	rddreg [dreg:$0x0];
	s2 =	stileid.u32  }
0x28a: {  	s1 =	rddreg [dreg:$0x1];
	p0 =	sne.s32 s2, $0x0  }
0x28b: {  	s3 =	rddreg [dreg:$0x2];
	[bflag:$0x3] =	sbarrier.arrive $0xFFFF;
	s2 =	simm.s32 @!p0 $0x1C05  }
0x28c: {  	[timem:s3], [sflag:s2] =	dma.local @!p0 [hbm:s0], s1  }
0x28d: {  	s0 =	simm.s32 @!p0 $0x5  }
0x28e: {  	_ =	swait.ge @!p0 [sflag:s0], s1  }
0x28f: {  	s1 =	ssub.s32 @!p0 $0x0, s1;
	[sflag:s0] =	ssyncset.done @!p0 $0x0  }
0x290: {  	[sflag:s0] =	ssyncadd.s32 @!p0 s1  }
0x291: {  	[bflag:$0x3] =	sbarrier.arrive $0xFFFF  }
0x292: {  	_ =	shalt  }

</sc_bundles>
